<compile_context>
chip_gen: v7x
topology: tpu7x:2x2x1
jax: 0.10.2.dev20260603
libtpu: 0.0.44.dev20260713+nightly
codegen_flags: <defaults>
</compile_context>

<pallas_src>
import functools

import jax
import jax.numpy as jnp
from jax import lax
from jax.experimental import pallas as pl
from jax.experimental.pallas import tpu as pltpu
from jax.experimental.pallas import tpu_sc as plsc

F = 2048
D = 64
E = 65504
NC = 2
NS = 16
NW = NC * NS
EW = 2048
CH = 128
NCH = EW // CH
VROWS = F + 128
DD = 2 * D
RPT = VROWS // NS
TAIL = NW * EW - E
REAL_TAIL = CH - TAIL


def _sc_segment_sum(w_cat, eidx_flat, zeros):
    mesh = plsc.VectorSubcoreMesh(core_axis_name="c", subcore_axis_name="s")

    @functools.partial(
        pl.kernel,
        out_type=jax.ShapeDtypeStruct((NC * VROWS, DD), jnp.float32),
        mesh=mesh,
        scratch_types=[
            pltpu.VMEM((EW,), jnp.int32),
            pltpu.VMEM((EW,), jnp.int32),
            [pltpu.VMEM((CH, DD), jnp.float32)] * 6,
            pltpu.VMEM_SHARED((VROWS, DD), jnp.float32),
            [pltpu.SemaphoreType.DMA] * 6,
            [pltpu.SemaphoreType.DMA] * 6,
            pltpu.SemaphoreType.DMA,
        ],
    )
    def seg(w_hbm, e_hbm, z_hbm, out_hbm,
            src_v, dst_v, bufs, v_sh, gsems, ssems, semi):
        c = lax.axis_index("c")
        s = lax.axis_index("s")
        wid = c * NS + s
        base = wid * EW

        zcp = pltpu.make_async_copy(z_hbm, v_sh.at[pl.ds(s * RPT, RPT)], semi)
        zcp.start()

        last = wid == NW - 1

        @pl.when(jnp.logical_not(last))
        def _():
            pltpu.sync_copy(e_hbm.at[pl.ds(base, EW)], src_v)
            pltpu.sync_copy(e_hbm.at[pl.ds(E + base, EW)], dst_v)

        @pl.when(last)
        def _():
            pltpu.sync_copy(e_hbm.at[pl.ds(base, EW - TAIL)],
                            src_v.at[pl.ds(0, EW - TAIL)])
            pltpu.sync_copy(e_hbm.at[pl.ds(E + base, EW - TAIL)],
                            dst_v.at[pl.ds(0, EW - TAIL)])
            for t in range(EW - TAIL, EW, 16):
                src_v[pl.ds(t, 16)] = jnp.zeros((16,), jnp.int32)
                dst_v[pl.ds(t, 16)] = jnp.full((16,), F, jnp.int32)

        zcp.wait()
        plsc.subcore_barrier()

        NB = 6

        def gcp(j):
            return pltpu.make_async_copy(
                w_hbm.at[src_v.at[pl.ds(j * CH, CH)]],
                bufs[j % NB], gsems[j % NB])

        sstarted = {}

        def scp_start(j):
            sstarted[j] = pltpu.async_copy(
                bufs[j % NB], v_sh.at[dst_v.at[pl.ds(j * CH, CH)]],
                ssems[j % NB], add=True)

        DEPTH = 4
        for j in range(DEPTH):
            gcp(j).start()
        for j in range(NCH):
            gcp(j).wait()
            scp_start(j)
            n = j + DEPTH
            if n < NCH:
                if n - NB >= 0:
                    sstarted[n - NB].wait()
                gcp(n).start()
        for j in range(max(0, NCH - NB), NCH):
            sstarted[j].wait()

        plsc.subcore_barrier()
        pltpu.sync_copy(v_sh.at[pl.ds(s * RPT, RPT)],
                        out_hbm.at[pl.ds(c * VROWS + s * RPT, RPT)])

    return seg(w_cat, eidx_flat, zeros)


def _tc_body(vpart_ref, wout0_ref, wout1_ref, femb_ref,
             wrz_ref, wn_ref, un_ref, brz_ref, bn_ref, cn_ref,
             b0_ref, b1_ref, out_ref):
    vsum = vpart_ref[:F, :] + vpart_ref[VROWS:VROWS + F, :]
    wcat = jnp.concatenate([wout0_ref[...], wout1_ref[...]], axis=1)
    dn = (((0,), (0,)), ((), ()))
    x = lax.dot_general(wcat, vsum, dn,
                        preferred_element_type=jnp.float32)
    m0 = x[:D, :D]
    m1 = x[D:, D:]
    femb = femb_ref[...]
    wrz = wrz_ref[...]
    wn, un = wn_ref[...], un_ref[...]
    brz = brz_ref[...]

    def mm(a, w):
        return lax.dot_general(a, w, (((1,), (0,)), ((), ())),
                               preferred_element_type=jnp.float32)

    h = femb
    for m, b_ref in ((m0, b0_ref), (m1, b1_ref)):
        a = jnp.dot(h, m, preferred_element_type=jnp.float32) + b_ref[...]
        ah = jnp.concatenate([a, h], axis=1)
        rz = jax.nn.sigmoid(mm(ah, wrz) + brz)
        r = rz[:, :D]
        z = rz[:, D:]
        n = jnp.tanh(mm(a, wn) + bn_ref[...] + r * (mm(h, un) + cn_ref[...]))
        h = (1.0 - z) * n + z * h + femb
    out_ref[...] = h


def kernel(feature_emb, edge_index, W_out0, W_in0, bias0,
           W_out1, W_in1, bias1, W_ih, W_hh, b_ih, b_hh):
    w_cat = jnp.concatenate([W_in0, W_in1], axis=1)
    eidx_flat = edge_index.astype(jnp.int32).reshape(-1)
    zeros = jnp.zeros((RPT, DD), jnp.float32)

    vpart = _sc_segment_sum(w_cat, eidx_flat, zeros)

    wrz = jnp.concatenate(
        [jnp.concatenate([W_ih[:D].T, W_ih[D:2 * D].T], axis=1),
         jnp.concatenate([W_hh[:D].T, W_hh[D:2 * D].T], axis=1)], axis=0)
    brz = (jnp.concatenate([b_ih[:D] + b_hh[:D],
                            b_ih[D:2 * D] + b_hh[D:2 * D]])).reshape(1, 2 * D)
    wn = W_ih[2 * D:].T
    un = W_hh[2 * D:].T
    bn = b_ih[2 * D:].reshape(1, D)
    cn = b_hh[2 * D:].reshape(1, D)

    return pl.pallas_call(
        _tc_body,
        out_shape=jax.ShapeDtypeStruct((F, D), jnp.float32),
    )(vpart, W_out0, W_out1, feature_emb,
      wrz, wn, un, brz, bn, cn,
      bias0.reshape(1, D), bias1.reshape(1, D))

# --- scband reference (transcript-rebuilt; emitter-appended) ---
"""Pipeline reference for scband-fihgt-36730560315584 (READ-ONLY COPY).

The authoritative reference and input builder live on the scoring server;
editing this copy changes nothing except your own understanding.
"""

import jax, jax.numpy as jnp
import numpy as np

NUM_FIELDS = 2048
EMBED_DIM = 64
N_NODES = NUM_FIELDS - 1
N_EDGES = 65504


def _gru_cell(x, h, W_ih, W_hh, b_ih, b_hh):
    gi = x @ W_ih.T + b_ih
    gh = h @ W_hh.T + b_hh
    i_r, i_z, i_n = jnp.split(gi, 3, axis=1)
    h_r, h_z, h_n = jnp.split(gh, 3, axis=1)
    r = jax.nn.sigmoid(i_r + h_r)
    z = jax.nn.sigmoid(i_z + h_z)
    n = jnp.tanh(i_n + r * h_n)
    return (1.0 - z) * n + z * h


def setup_inputs(seed: int = 0):
    key = jax.random.key(seed)
    ks = jax.random.split(key, 12)
    s_g = (2.0 / (NUM_FIELDS + EMBED_DIM)) ** 0.5
    s_r = (1.0 / EMBED_DIM) ** 0.5
    inp = {}
    inp["feature_emb"] = jax.random.normal(ks[0], (NUM_FIELDS, EMBED_DIM), dtype=jnp.float32)
    inp["edge_index"] = jax.random.randint(ks[1], (2, N_EDGES), 0, N_NODES)
    inp["W_out0"] = jax.random.normal(ks[2], (NUM_FIELDS, EMBED_DIM), dtype=jnp.float32) * s_g
    inp["W_in0"] = jax.random.normal(ks[3], (NUM_FIELDS, EMBED_DIM), dtype=jnp.float32) * s_g
    inp["bias0"] = jnp.zeros((EMBED_DIM,), dtype=jnp.float32)
    inp["W_out1"] = jax.random.normal(ks[4], (NUM_FIELDS, EMBED_DIM), dtype=jnp.float32) * s_g
    inp["W_in1"] = jax.random.normal(ks[5], (NUM_FIELDS, EMBED_DIM), dtype=jnp.float32) * s_g
    inp["bias1"] = jnp.zeros((EMBED_DIM,), dtype=jnp.float32)
    inp["W_ih"] = jax.random.uniform(ks[6], (3 * EMBED_DIM, EMBED_DIM), minval=-s_r, maxval=s_r, dtype=jnp.float32)
    inp["W_hh"] = jax.random.uniform(ks[7], (3 * EMBED_DIM, EMBED_DIM), minval=-s_r, maxval=s_r, dtype=jnp.float32)
    inp["b_ih"] = jax.random.uniform(ks[8], (3 * EMBED_DIM,), minval=-s_r, maxval=s_r, dtype=jnp.float32)
    inp["b_hh"] = jax.random.uniform(ks[9], (3 * EMBED_DIM,), minval=-s_r, maxval=s_r, dtype=jnp.float32)
    return inp


def reference(feature_emb, edge_index, W_out0, W_in0, bias0, W_out1, W_in1, bias1, W_ih, W_hh, b_ih, b_hh):
    # adj = to_scipy_sparse_matrix(edge_index).todense(): dense [N_NODES, N_NODES], duplicates summed
    g = jnp.zeros((N_NODES, N_NODES), dtype=jnp.float32).at[edge_index[0], edge_index[1]].add(1.0)
    # GraphLayer.add: pad one zero row and one zero column -> [NUM_FIELDS, NUM_FIELDS]
    g = jnp.pad(g, ((0, 1), (0, 1)))
    h = feature_emb
    for W_out, W_in, b in [(W_out0, W_in0, bias0), (W_out1, W_in1, bias1)]:
        # h_out[b] = W_out @ h[b]  (broadcast batched matvec) -> h @ W_out.T : [F, F]
        h_out = h @ W_out.T
        # aggr[b] = g @ h_out[b] -> h_out @ g.T : [F, F]
        aggr = h_out @ g.T
        a = aggr @ W_in + b  # [F, D]
        h = _gru_cell(a, h, W_ih, W_hh, b_ih, b_hh)
        h = h + feature_emb  # residual
    return h

if __name__ == "__main__":
    import jax
    _d = setup_inputs()
    print(jax.jit(kernel)(*tuple(_d.values())))

</pallas_src>

<mosaic_0001>
#map = affine_map<(d0, d1) -> (0, 0)>
#map1 = affine_map<(d0, d1) -> (0)>
module attributes {stable_mosaic.version = 14 : i64} {
  func.func @seg(%arg0: i32, %arg1: i32, %arg2: memref<2048x128xf32, #tpu.memory_space<hbm>>, %arg3: memref<131008xi32, #tpu.memory_space<hbm>>, %arg4: memref<136x128xf32, #tpu.memory_space<hbm>>, %arg5: memref<4352x128xf32, #tpu.memory_space<hbm>>, %arg6: memref<2048xi32, #tpu.memory_space<vmem>>, %arg7: memref<2048xi32, #tpu.memory_space<vmem>>, %arg8: memref<128x128xf32, #tpu.memory_space<vmem>>, %arg9: memref<128x128xf32, #tpu.memory_space<vmem>>, %arg10: memref<128x128xf32, #tpu.memory_space<vmem>>, %arg11: memref<128x128xf32, #tpu.memory_space<vmem>>, %arg12: memref<128x128xf32, #tpu.memory_space<vmem>>, %arg13: memref<128x128xf32, #tpu.memory_space<vmem>>, %arg14: memref<2176x128xf32, #tpu.memory_space<vmem_shared>>, %arg15: memref<!tpu.dma_semaphore, #tpu.memory_space<semaphore_mem>>, %arg16: memref<!tpu.dma_semaphore, #tpu.memory_space<semaphore_mem>>, %arg17: memref<!tpu.dma_semaphore, #tpu.memory_space<semaphore_mem>>, %arg18: memref<!tpu.dma_semaphore, #tpu.memory_space<semaphore_mem>>, %arg19: memref<!tpu.dma_semaphore, #tpu.memory_space<semaphore_mem>>, %arg20: memref<!tpu.dma_semaphore, #tpu.memory_space<semaphore_mem>>, %arg21: memref<!tpu.dma_semaphore, #tpu.memory_space<semaphore_mem>>, %arg22: memref<!tpu.dma_semaphore, #tpu.memory_space<semaphore_mem>>, %arg23: memref<!tpu.dma_semaphore, #tpu.memory_space<semaphore_mem>>, %arg24: memref<!tpu.dma_semaphore, #tpu.memory_space<semaphore_mem>>, %arg25: memref<!tpu.dma_semaphore, #tpu.memory_space<semaphore_mem>>, %arg26: memref<!tpu.dma_semaphore, #tpu.memory_space<semaphore_mem>>, %arg27: memref<!tpu.dma_semaphore, #tpu.memory_space<semaphore_mem>>) attributes {dimension_semantics = [#tpu.dimension_semantics<core_parallel>, #tpu.dimension_semantics<subcore_parallel>], iteration_bounds = array<i64: 2, 16>, scalar_prefetch = 0 : i64, scratch_operands = 22 : i64, tpu.core_type = #tpu.core_type<sc_vector_subcore>, window_params = [{transform_indices = #map}, {transform_indices = #map1}, {transform_indices = #map}, {transform_indices = #map}]} {
    %mul3A = arith.constant 16 : i32
    %mul3A_0 = arith.muli %arg0, %mul3A : i32
    %add3A = arith.addi %mul3A_0, %arg1 : i32
    %mul3A_1 = arith.constant 2048 : i32
    %mul3A_2 = arith.muli %add3A, %mul3A_1 : i32
    %mul3A_3 = arith.constant 136 : i32
    %mul3A_4 = arith.muli %arg1, %mul3A_3 : i32
    %dma_start3A = arith.constant 0 : i32
    %dma_start3A_5 = tpu.memref_slice %arg14[%mul3A_4, %dma_start3A] : memref<2176x128xf32, #tpu.memory_space<vmem_shared>> -> memref<136x128xf32, #tpu.memory_space<vmem_shared>>
    tpu.enqueue_dma source(%arg4 : memref<136x128xf32, #tpu.memory_space<hbm>>) target(%dma_start3A_5 : memref<136x128xf32, #tpu.memory_space<vmem_shared>>) target_semaphore(%arg27 : memref<!tpu.dma_semaphore, #tpu.memory_space<semaphore_mem>>)
    %eq3A = arith.constant 31 : i32
    %eq3A_6 = arith.cmpi eq, %add3A, %eq3A : i32
    %not3A = arith.constant true
    %not3A_7 = arith.xori %eq3A_6, %not3A : i1
    %convert_element_type3A = arith.extui %not3A_7 : i1 to i32
    %cond3A = arith.constant 0 : i32
    %cond3A_8 = arith.cmpi ne, %convert_element_type3A, %cond3A : i32
    scf.if %cond3A_8 {
      "tpu.region"() ({
        %run_scoped3A = tpu.sem_alloc : memref<!tpu.dma_semaphore, #tpu.memory_space<semaphore_mem>>
        %dma_start3A_343 = tpu.memref_slice %arg3[%mul3A_2] : memref<131008xi32, #tpu.memory_space<hbm>> -> memref<2048xi32, #tpu.memory_space<hbm>>
        %dma_start3A_344 = tpu.memref_slice %arg3[%mul3A_2] : memref<131008xi32, #tpu.memory_space<hbm>> -> memref<2048xi32, #tpu.memory_space<hbm>>
        tpu.enqueue_dma source(%dma_start3A_344 : memref<2048xi32, #tpu.memory_space<hbm>>) target(%arg6 : memref<2048xi32, #tpu.memory_space<vmem>>) target_semaphore(%run_scoped3A : memref<!tpu.dma_semaphore, #tpu.memory_space<semaphore_mem>>)
        %dma_wait3A_345 = tpu.memref_slice %arg3[%mul3A_2] : memref<131008xi32, #tpu.memory_space<hbm>> -> memref<2048xi32, #tpu.memory_space<hbm>>
        %dma_wait3A_346 = tpu.memref_slice %arg3[%mul3A_2] : memref<131008xi32, #tpu.memory_space<hbm>> -> memref<2048xi32, #tpu.memory_space<hbm>>
        tpu.wait_dma2 semaphore(%run_scoped3A : memref<!tpu.dma_semaphore, #tpu.memory_space<semaphore_mem>>) src(%dma_wait3A_346 : memref<2048xi32, #tpu.memory_space<hbm>>) dst(%arg6 : memref<2048xi32, #tpu.memory_space<vmem>>)
        tpu.yield
      }) : () -> ()
      %add3A_341 = arith.constant 65504 : i32
      %add3A_342 = arith.addi %add3A_341, %mul3A_2 : i32
      "tpu.region"() ({
        %run_scoped3A = tpu.sem_alloc : memref<!tpu.dma_semaphore, #tpu.memory_space<semaphore_mem>>
        %dma_start3A_343 = tpu.memref_slice %arg3[%add3A_342] : memref<131008xi32, #tpu.memory_space<hbm>> -> memref<2048xi32, #tpu.memory_space<hbm>>
        %dma_start3A_344 = tpu.memref_slice %arg3[%add3A_342] : memref<131008xi32, #tpu.memory_space<hbm>> -> memref<2048xi32, #tpu.memory_space<hbm>>
        tpu.enqueue_dma source(%dma_start3A_344 : memref<2048xi32, #tpu.memory_space<hbm>>) target(%arg7 : memref<2048xi32, #tpu.memory_space<vmem>>) target_semaphore(%run_scoped3A : memref<!tpu.dma_semaphore, #tpu.memory_space<semaphore_mem>>)
        %dma_wait3A_345 = tpu.memref_slice %arg3[%add3A_342] : memref<131008xi32, #tpu.memory_space<hbm>> -> memref<2048xi32, #tpu.memory_space<hbm>>
        %dma_wait3A_346 = tpu.memref_slice %arg3[%add3A_342] : memref<131008xi32, #tpu.memory_space<hbm>> -> memref<2048xi32, #tpu.memory_space<hbm>>
        tpu.wait_dma2 semaphore(%run_scoped3A : memref<!tpu.dma_semaphore, #tpu.memory_space<semaphore_mem>>) src(%dma_wait3A_346 : memref<2048xi32, #tpu.memory_space<hbm>>) dst(%arg7 : memref<2048xi32, #tpu.memory_space<vmem>>)
        tpu.yield
      }) : () -> ()
    } else {
    }
    %convert_element_type3A_9 = arith.extui %eq3A_6 : i1 to i32
    %cond3A_10 = arith.constant 0 : i32
    %cond3A_11 = arith.cmpi ne, %convert_element_type3A_9, %cond3A_10 : i32
    scf.if %cond3A_11 {
      "tpu.region"() ({
        %run_scoped3A = tpu.sem_alloc : memref<!tpu.dma_semaphore, #tpu.memory_space<semaphore_mem>>
        %dma_start3A_365 = arith.constant 0 : i32
        %dma_start3A_366 = tpu.memref_slice %arg6[%dma_start3A_365] : memref<2048xi32, #tpu.memory_space<vmem>> -> memref<2016xi32, #tpu.memory_space<vmem>>
        %dma_start3A_367 = tpu.memref_slice %arg3[%mul3A_2] : memref<131008xi32, #tpu.memory_space<hbm>> -> memref<2016xi32, #tpu.memory_space<hbm>>
        %dma_start3A_368 = arith.constant 0 : i32
        %dma_start3A_369 = tpu.memref_slice %arg6[%dma_start3A_368] : memref<2048xi32, #tpu.memory_space<vmem>> -> memref<2016xi32, #tpu.memory_space<vmem>>
        %dma_start3A_370 = tpu.memref_slice %arg3[%mul3A_2] : memref<131008xi32, #tpu.memory_space<hbm>> -> memref<2016xi32, #tpu.memory_space<hbm>>
        tpu.enqueue_dma source(%dma_start3A_370 : memref<2016xi32, #tpu.memory_space<hbm>>) target(%dma_start3A_369 : memref<2016xi32, #tpu.memory_space<vmem>>) target_semaphore(%run_scoped3A : memref<!tpu.dma_semaphore, #tpu.memory_space<semaphore_mem>>)
        %dma_wait3A_371 = arith.constant 0 : i32
        %dma_wait3A_372 = tpu.memref_slice %arg6[%dma_wait3A_371] : memref<2048xi32, #tpu.memory_space<vmem>> -> memref<2016xi32, #tpu.memory_space<vmem>>
        %dma_wait3A_373 = tpu.memref_slice %arg3[%mul3A_2] : memref<131008xi32, #tpu.memory_space<hbm>> -> memref<2016xi32, #tpu.memory_space<hbm>>
        %dma_wait3A_374 = arith.constant 0 : i32
        %dma_wait3A_375 = tpu.memref_slice %arg6[%dma_wait3A_374] : memref<2048xi32, #tpu.memory_space<vmem>> -> memref<2016xi32, #tpu.memory_space<vmem>>
        %dma_wait3A_376 = tpu.memref_slice %arg3[%mul3A_2] : memref<131008xi32, #tpu.memory_space<hbm>> -> memref<2016xi32, #tpu.memory_space<hbm>>
        tpu.wait_dma2 semaphore(%run_scoped3A : memref<!tpu.dma_semaphore, #tpu.memory_space<semaphore_mem>>) src(%dma_wait3A_376 : memref<2016xi32, #tpu.memory_space<hbm>>) dst(%dma_wait3A_375 : memref<2016xi32, #tpu.memory_space<vmem>>)
        tpu.yield
      }) : () -> ()
      %add3A_341 = arith.constant 65504 : i32
      %add3A_342 = arith.addi %add3A_341, %mul3A_2 : i32
      "tpu.region"() ({
        %run_scoped3A = tpu.sem_alloc : memref<!tpu.dma_semaphore, #tpu.memory_space<semaphore_mem>>
        %dma_start3A_365 = arith.constant 0 : i32
        %dma_start3A_366 = tpu.memref_slice %arg7[%dma_start3A_365] : memref<2048xi32, #tpu.memory_space<vmem>> -> memref<2016xi32, #tpu.memory_space<vmem>>
        %dma_start3A_367 = tpu.memref_slice %arg3[%add3A_342] : memref<131008xi32, #tpu.memory_space<hbm>> -> memref<2016xi32, #tpu.memory_space<hbm>>
        %dma_start3A_368 = arith.constant 0 : i32
        %dma_start3A_369 = tpu.memref_slice %arg7[%dma_start3A_368] : memref<2048xi32, #tpu.memory_space<vmem>> -> memref<2016xi32, #tpu.memory_space<vmem>>
        %dma_start3A_370 = tpu.memref_slice %arg3[%add3A_342] : memref<131008xi32, #tpu.memory_space<hbm>> -> memref<2016xi32, #tpu.memory_space<hbm>>
        tpu.enqueue_dma source(%dma_start3A_370 : memref<2016xi32, #tpu.memory_space<hbm>>) target(%dma_start3A_369 : memref<2016xi32, #tpu.memory_space<vmem>>) target_semaphore(%run_scoped3A : memref<!tpu.dma_semaphore, #tpu.memory_space<semaphore_mem>>)
        %dma_wait3A_371 = arith.constant 0 : i32
        %dma_wait3A_372 = tpu.memref_slice %arg7[%dma_wait3A_371] : memref<2048xi32, #tpu.memory_space<vmem>> -> memref<2016xi32, #tpu.memory_space<vmem>>
        %dma_wait3A_373 = tpu.memref_slice %arg3[%add3A_342] : memref<131008xi32, #tpu.memory_space<hbm>> -> memref<2016xi32, #tpu.memory_space<hbm>>
        %dma_wait3A_374 = arith.constant 0 : i32
        %dma_wait3A_375 = tpu.memref_slice %arg7[%dma_wait3A_374] : memref<2048xi32, #tpu.memory_space<vmem>> -> memref<2016xi32, #tpu.memory_space<vmem>>
        %dma_wait3A_376 = tpu.memref_slice %arg3[%add3A_342] : memref<131008xi32, #tpu.memory_space<hbm>> -> memref<2016xi32, #tpu.memory_space<hbm>>
        tpu.wait_dma2 semaphore(%run_scoped3A : memref<!tpu.dma_semaphore, #tpu.memory_space<semaphore_mem>>) src(%dma_wait3A_376 : memref<2016xi32, #tpu.memory_space<hbm>>) dst(%dma_wait3A_375 : memref<2016xi32, #tpu.memory_space<vmem>>)
        tpu.yield
      }) : () -> ()
      %broadcast_in_dim3A = arith.constant 0 : i32
      %broadcast_in_dim3A_343 = vector.broadcast %broadcast_in_dim3A : i32 to vector<16xi32>
      %swap3A = arith.constant 2016 : index
      %swap3A_344 = tpu.vector_load %arg6[%swap3A] {strides = array<i32>} : memref<2048xi32, #tpu.memory_space<vmem>>, vector<16xi32>,
      %swap3A_345 = vector.shape_cast %swap3A_344 : vector<16xi32> to vector<16xi32>
      %swap3A_346 = vector.shape_cast %broadcast_in_dim3A_343 : vector<16xi32> to vector<16xi32>
      tpu.vector_store %arg6[%swap3A], %swap3A_346 {strides = array<i32>} : memref<2048xi32, #tpu.memory_space<vmem>>, vector<16xi32>,
      %broadcast_in_dim3A_347 = arith.constant 2048 : i32
      %broadcast_in_dim3A_348 = vector.broadcast %broadcast_in_dim3A_347 : i32 to vector<16xi32>
      %swap3A_349 = arith.constant 2016 : index
      %swap3A_350 = tpu.vector_load %arg7[%swap3A_349] {strides = array<i32>} : memref<2048xi32, #tpu.memory_space<vmem>>, vector<16xi32>,
      %swap3A_351 = vector.shape_cast %swap3A_350 : vector<16xi32> to vector<16xi32>
      %swap3A_352 = vector.shape_cast %broadcast_in_dim3A_348 : vector<16xi32> to vector<16xi32>
      tpu.vector_store %arg7[%swap3A_349], %swap3A_352 {strides = array<i32>} : memref<2048xi32, #tpu.memory_space<vmem>>, vector<16xi32>,
      %broadcast_in_dim3A_353 = arith.constant 0 : i32
      %broadcast_in_dim3A_354 = vector.broadcast %broadcast_in_dim3A_353 : i32 to vector<16xi32>
      %swap3A_355 = arith.constant 2032 : index
      %swap3A_356 = tpu.vector_load %arg6[%swap3A_355] {strides = array<i32>} : memref<2048xi32, #tpu.memory_space<vmem>>, vector<16xi32>,
      %swap3A_357 = vector.shape_cast %swap3A_356 : vector<16xi32> to vector<16xi32>
      %swap3A_358 = vector.shape_cast %broadcast_in_dim3A_354 : vector<16xi32> to vector<16xi32>
      tpu.vector_store %arg6[%swap3A_355], %swap3A_358 {strides = array<i32>} : memref<2048xi32, #tpu.memory_space<vmem>>, vector<16xi32>,
      %broadcast_in_dim3A_359 = arith.constant 2048 : i32
      %broadcast_in_dim3A_360 = vector.broadcast %broadcast_in_dim3A_359 : i32 to vector<16xi32>
      %swap3A_361 = arith.constant 2032 : index
      %swap3A_362 = tpu.vector_load %arg7[%swap3A_361] {strides = array<i32>} : memref<2048xi32, #tpu.memory_space<vmem>>, vector<16xi32>,
      %swap3A_363 = vector.shape_cast %swap3A_362 : vector<16xi32> to vector<16xi32>
      %swap3A_364 = vector.shape_cast %broadcast_in_dim3A_360 : vector<16xi32> to vector<16xi32>
      tpu.vector_store %arg7[%swap3A_361], %swap3A_364 {strides = array<i32>} : memref<2048xi32, #tpu.memory_space<vmem>>, vector<16xi32>,
    } else {
    }
    %dma_wait3A = arith.constant 0 : i32
    %dma_wait3A_12 = tpu.memref_slice %arg14[%mul3A_4, %dma_wait3A] : memref<2176x128xf32, #tpu.memory_space<vmem_shared>> -> memref<136x128xf32, #tpu.memory_space<vmem_shared>>
    tpu.wait_dma2 semaphore(%arg27 : memref<!tpu.dma_semaphore, #tpu.memory_space<semaphore_mem>>) src(%arg4 : memref<136x128xf32, #tpu.memory_space<hbm>>) dst(%dma_wait3A_12 : memref<136x128xf32, #tpu.memory_space<vmem_shared>>)
    %barrier3A = arith.constant 0 : index
    tpu.barrier barrier_id(%barrier3A)
    %dma_start3A_13 = arith.constant 0 : i32
    %dma_start3A_14 = tpu.memref_slice %arg6[%dma_start3A_13] : memref<2048xi32, #tpu.memory_space<vmem>> -> memref<128xi32, #tpu.memory_space<vmem>>
    %dma_start3A_15 = arith.constant 0 : i32
    %dma_start3A_16 = arith.constant 0 : i32
    %dma_start3A_17 = tpu.memref_slice %arg2[%dma_start3A_15, %dma_start3A_16] : memref<2048x128xf32, #tpu.memory_space<hbm>> -> memref<2048x128xf32, #tpu.memory_space<hbm>>
    tpu.enqueue_indirect_dma source(%dma_start3A_17 : memref<2048x128xf32, #tpu.memory_space<hbm>>) target(%arg8 : memref<128x128xf32, #tpu.memory_space<vmem>>) offsets(%dma_start3A_14 : memref<128xi32, #tpu.memory_space<vmem>>) semaphore(%arg15 : memref<!tpu.dma_semaphore, #tpu.memory_space<semaphore_mem>>)
    %dma_start3A_18 = arith.constant 128 : i32
    %dma_start3A_19 = tpu.memref_slice %arg6[%dma_start3A_18] : memref<2048xi32, #tpu.memory_space<vmem>> -> memref<128xi32, #tpu.memory_space<vmem>>
    %dma_start3A_20 = arith.constant 0 : i32
    %dma_start3A_21 = arith.constant 0 : i32
    %dma_start3A_22 = tpu.memref_slice %arg2[%dma_start3A_20, %dma_start3A_21] : memref<2048x128xf32, #tpu.memory_space<hbm>> -> memref<2048x128xf32, #tpu.memory_space<hbm>>
    tpu.enqueue_indirect_dma source(%dma_start3A_22 : memref<2048x128xf32, #tpu.memory_space<hbm>>) target(%arg9 : memref<128x128xf32, #tpu.memory_space<vmem>>) offsets(%dma_start3A_19 : memref<128xi32, #tpu.memory_space<vmem>>) semaphore(%arg16 : memref<!tpu.dma_semaphore, #tpu.memory_space<semaphore_mem>>)
    %dma_start3A_23 = arith.constant 256 : i32
    %dma_start3A_24 = tpu.memref_slice %arg6[%dma_start3A_23] : memref<2048xi32, #tpu.memory_space<vmem>> -> memref<128xi32, #tpu.memory_space<vmem>>
    %dma_start3A_25 = arith.constant 0 : i32
    %dma_start3A_26 = arith.constant 0 : i32
    %dma_start3A_27 = tpu.memref_slice %arg2[%dma_start3A_25, %dma_start3A_26] : memref<2048x128xf32, #tpu.memory_space<hbm>> -> memref<2048x128xf32, #tpu.memory_space<hbm>>
    tpu.enqueue_indirect_dma source(%dma_start3A_27 : memref<2048x128xf32, #tpu.memory_space<hbm>>) target(%arg10 : memref<128x128xf32, #tpu.memory_space<vmem>>) offsets(%dma_start3A_24 : memref<128xi32, #tpu.memory_space<vmem>>) semaphore(%arg17 : memref<!tpu.dma_semaphore, #tpu.memory_space<semaphore_mem>>)
    %dma_start3A_28 = arith.constant 384 : i32
    %dma_start3A_29 = tpu.memref_slice %arg6[%dma_start3A_28] : memref<2048xi32, #tpu.memory_space<vmem>> -> memref<128xi32, #tpu.memory_space<vmem>>
    %dma_start3A_30 = arith.constant 0 : i32
    %dma_start3A_31 = arith.constant 0 : i32
    %dma_start3A_32 = tpu.memref_slice %arg2[%dma_start3A_30, %dma_start3A_31] : memref<2048x128xf32, #tpu.memory_space<hbm>> -> memref<2048x128xf32, #tpu.memory_space<hbm>>
    tpu.enqueue_indirect_dma source(%dma_start3A_32 : memref<2048x128xf32, #tpu.memory_space<hbm>>) target(%arg11 : memref<128x128xf32, #tpu.memory_space<vmem>>) offsets(%dma_start3A_29 : memref<128xi32, #tpu.memory_space<vmem>>) semaphore(%arg18 : memref<!tpu.dma_semaphore, #tpu.memory_space<semaphore_mem>>)
    %dma_wait3A_33 = arith.constant 0 : i32
    %dma_wait3A_34 = tpu.memref_slice %arg6[%dma_wait3A_33] : memref<2048xi32, #tpu.memory_space<vmem>> -> memref<128xi32, #tpu.memory_space<vmem>>
    %dma_wait3A_35 = arith.constant 0 : i32
    %dma_wait3A_36 = arith.constant 0 : i32
    %dma_wait3A_37 = tpu.memref_slice %arg2[%dma_wait3A_35, %dma_wait3A_36] : memref<2048x128xf32, #tpu.memory_space<hbm>> -> memref<2048x128xf32, #tpu.memory_space<hbm>>
    tpu.wait_indirect_dma semaphore(%arg15 : memref<!tpu.dma_semaphore, #tpu.memory_space<semaphore_mem>>) src(%dma_wait3A_37 : memref<2048x128xf32, #tpu.memory_space<hbm>>) dst(%arg8 : memref<128x128xf32, #tpu.memory_space<vmem>>)
    %dma_start3A_38 = arith.constant 0 : i32
    %dma_start3A_39 = tpu.memref_slice %arg7[%dma_start3A_38] : memref<2048xi32, #tpu.memory_space<vmem>> -> memref<128xi32, #tpu.memory_space<vmem>>
    %dma_start3A_40 = arith.constant 0 : i32
    %dma_start3A_41 = arith.constant 0 : i32
    %dma_start3A_42 = tpu.memref_slice %arg14[%dma_start3A_40, %dma_start3A_41] : memref<2176x128xf32, #tpu.memory_space<vmem_shared>> -> memref<2176x128xf32, #tpu.memory_space<vmem_shared>>
    tpu.enqueue_indirect_dma source(%arg8 : memref<128x128xf32, #tpu.memory_space<vmem>>) target(%dma_start3A_42 : memref<2176x128xf32, #tpu.memory_space<vmem_shared>>) offsets(%dma_start3A_39 : memref<128xi32, #tpu.memory_space<vmem>>) semaphore(%arg21 : memref<!tpu.dma_semaphore, #tpu.memory_space<semaphore_mem>>) {add = true}
    %dma_start3A_43 = arith.constant 512 : i32
    %dma_start3A_44 = tpu.memref_slice %arg6[%dma_start3A_43] : memref<2048xi32, #tpu.memory_space<vmem>> -> memref<128xi32, #tpu.memory_space<vmem>>
    %dma_start3A_45 = arith.constant 0 : i32
    %dma_start3A_46 = arith.constant 0 : i32
    %dma_start3A_47 = tpu.memref_slice %arg2[%dma_start3A_45, %dma_start3A_46] : memref<2048x128xf32, #tpu.memory_space<hbm>> -> memref<2048x128xf32, #tpu.memory_space<hbm>>
    tpu.enqueue_indirect_dma source(%dma_start3A_47 : memref<2048x128xf32, #tpu.memory_space<hbm>>) target(%arg12 : memref<128x128xf32, #tpu.memory_space<vmem>>) offsets(%dma_start3A_44 : memref<128xi32, #tpu.memory_space<vmem>>) semaphore(%arg19 : memref<!tpu.dma_semaphore, #tpu.memory_space<semaphore_mem>>)
    %dma_wait3A_48 = arith.constant 128 : i32
    %dma_wait3A_49 = tpu.memref_slice %arg6[%dma_wait3A_48] : memref<2048xi32, #tpu.memory_space<vmem>> -> memref<128xi32, #tpu.memory_space<vmem>>
    %dma_wait3A_50 = arith.constant 0 : i32
    %dma_wait3A_51 = arith.constant 0 : i32
    %dma_wait3A_52 = tpu.memref_slice %arg2[%dma_wait3A_50, %dma_wait3A_51] : memref<2048x128xf32, #tpu.memory_space<hbm>> -> memref<2048x128xf32, #tpu.memory_space<hbm>>
    tpu.wait_indirect_dma semaphore(%arg16 : memref<!tpu.dma_semaphore, #tpu.memory_space<semaphore_mem>>) src(%dma_wait3A_52 : memref<2048x128xf32, #tpu.memory_space<hbm>>) dst(%arg9 : memref<128x128xf32, #tpu.memory_space<vmem>>)
    %dma_start3A_53 = arith.constant 128 : i32
    %dma_start3A_54 = tpu.memref_slice %arg7[%dma_start3A_53] : memref<2048xi32, #tpu.memory_space<vmem>> -> memref<128xi32, #tpu.memory_space<vmem>>
    %dma_start3A_55 = arith.constant 0 : i32
    %dma_start3A_56 = arith.constant 0 : i32
    %dma_start3A_57 = tpu.memref_slice %arg14[%dma_start3A_55, %dma_start3A_56] : memref<2176x128xf32, #tpu.memory_space<vmem_shared>> -> memref<2176x128xf32, #tpu.memory_space<vmem_shared>>
    tpu.enqueue_indirect_dma source(%arg9 : memref<128x128xf32, #tpu.memory_space<vmem>>) target(%dma_start3A_57 : memref<2176x128xf32, #tpu.memory_space<vmem_shared>>) offsets(%dma_start3A_54 : memref<128xi32, #tpu.memory_space<vmem>>) semaphore(%arg22 : memref<!tpu.dma_semaphore, #tpu.memory_space<semaphore_mem>>) {add = true}
    %dma_start3A_58 = arith.constant 640 : i32
    %dma_start3A_59 = tpu.memref_slice %arg6[%dma_start3A_58] : memref<2048xi32, #tpu.memory_space<vmem>> -> memref<128xi32, #tpu.memory_space<vmem>>
    %dma_start3A_60 = arith.constant 0 : i32
    %dma_start3A_61 = arith.constant 0 : i32
    %dma_start3A_62 = tpu.memref_slice %arg2[%dma_start3A_60, %dma_start3A_61] : memref<2048x128xf32, #tpu.memory_space<hbm>> -> memref<2048x128xf32, #tpu.memory_space<hbm>>
    tpu.enqueue_indirect_dma source(%dma_start3A_62 : memref<2048x128xf32, #tpu.memory_space<hbm>>) target(%arg13 : memref<128x128xf32, #tpu.memory_space<vmem>>) offsets(%dma_start3A_59 : memref<128xi32, #tpu.memory_space<vmem>>) semaphore(%arg20 : memref<!tpu.dma_semaphore, #tpu.memory_space<semaphore_mem>>)
    %dma_wait3A_63 = arith.constant 256 : i32
    %dma_wait3A_64 = tpu.memref_slice %arg6[%dma_wait3A_63] : memref<2048xi32, #tpu.memory_space<vmem>> -> memref<128xi32, #tpu.memory_space<vmem>>
    %dma_wait3A_65 = arith.constant 0 : i32
    %dma_wait3A_66 = arith.constant 0 : i32
    %dma_wait3A_67 = tpu.memref_slice %arg2[%dma_wait3A_65, %dma_wait3A_66] : memref<2048x128xf32, #tpu.memory_space<hbm>> -> memref<2048x128xf32, #tpu.memory_space<hbm>>
    tpu.wait_indirect_dma semaphore(%arg17 : memref<!tpu.dma_semaphore, #tpu.memory_space<semaphore_mem>>) src(%dma_wait3A_67 : memref<2048x128xf32, #tpu.memory_space<hbm>>) dst(%arg10 : memref<128x128xf32, #tpu.memory_space<vmem>>)
    %dma_start3A_68 = arith.constant 256 : i32
    %dma_start3A_69 = tpu.memref_slice %arg7[%dma_start3A_68] : memref<2048xi32, #tpu.memory_space<vmem>> -> memref<128xi32, #tpu.memory_space<vmem>>
    %dma_start3A_70 = arith.constant 0 : i32
    %dma_start3A_71 = arith.constant 0 : i32
    %dma_start3A_72 = tpu.memref_slice %arg14[%dma_start3A_70, %dma_start3A_71] : memref<2176x128xf32, #tpu.memory_space<vmem_shared>> -> memref<2176x128xf32, #tpu.memory_space<vmem_shared>>
    tpu.enqueue_indirect_dma source(%arg10 : memref<128x128xf32, #tpu.memory_space<vmem>>) target(%dma_start3A_72 : memref<2176x128xf32, #tpu.memory_space<vmem_shared>>) offsets(%dma_start3A_69 : memref<128xi32, #tpu.memory_space<vmem>>) semaphore(%arg23 : memref<!tpu.dma_semaphore, #tpu.memory_space<semaphore_mem>>) {add = true}
    %dma_wait3A_73 = arith.constant 0 : i32
    %dma_wait3A_74 = tpu.memref_slice %arg7[%dma_wait3A_73] : memref<2048xi32, #tpu.memory_space<vmem>> -> memref<128xi32, #tpu.memory_space<vmem>>
    %dma_wait3A_75 = arith.constant 0 : i32
    %dma_wait3A_76 = arith.constant 0 : i32
    %dma_wait3A_77 = tpu.memref_slice %arg14[%dma_wait3A_75, %dma_wait3A_76] : memref<2176x128xf32, #tpu.memory_space<vmem_shared>> -> memref<2176x128xf32, #tpu.memory_space<vmem_shared>>
    tpu.wait_indirect_dma semaphore(%arg21 : memref<!tpu.dma_semaphore, #tpu.memory_space<semaphore_mem>>) src(%arg8 : memref<128x128xf32, #tpu.memory_space<vmem>>) dst(%dma_wait3A_77 : memref<2176x128xf32, #tpu.memory_space<vmem_shared>>)
    %dma_start3A_78 = arith.constant 768 : i32
    %dma_start3A_79 = tpu.memref_slice %arg6[%dma_start3A_78] : memref<2048xi32, #tpu.memory_space<vmem>> -> memref<128xi32, #tpu.memory_space<vmem>>
    %dma_start3A_80 = arith.constant 0 : i32
    %dma_start3A_81 = arith.constant 0 : i32
    %dma_start3A_82 = tpu.memref_slice %arg2[%dma_start3A_80, %dma_start3A_81] : memref<2048x128xf32, #tpu.memory_space<hbm>> -> memref<2048x128xf32, #tpu.memory_space<hbm>>
    tpu.enqueue_indirect_dma source(%dma_start3A_82 : memref<2048x128xf32, #tpu.memory_space<hbm>>) target(%arg8 : memref<128x128xf32, #tpu.memory_space<vmem>>) offsets(%dma_start3A_79 : memref<128xi32, #tpu.memory_space<vmem>>) semaphore(%arg15 : memref<!tpu.dma_semaphore, #tpu.memory_space<semaphore_mem>>)
    %dma_wait3A_83 = arith.constant 384 : i32
    %dma_wait3A_84 = tpu.memref_slice %arg6[%dma_wait3A_83] : memref<2048xi32, #tpu.memory_space<vmem>> -> memref<128xi32, #tpu.memory_space<vmem>>
    %dma_wait3A_85 = arith.constant 0 : i32
    %dma_wait3A_86 = arith.constant 0 : i32
    %dma_wait3A_87 = tpu.memref_slice %arg2[%dma_wait3A_85, %dma_wait3A_86] : memref<2048x128xf32, #tpu.memory_space<hbm>> -> memref<2048x128xf32, #tpu.memory_space<hbm>>
    tpu.wait_indirect_dma semaphore(%arg18 : memref<!tpu.dma_semaphore, #tpu.memory_space<semaphore_mem>>) src(%dma_wait3A_87 : memref<2048x128xf32, #tpu.memory_space<hbm>>) dst(%arg11 : memref<128x128xf32, #tpu.memory_space<vmem>>)
    %dma_start3A_88 = arith.constant 384 : i32
    %dma_start3A_89 = tpu.memref_slice %arg7[%dma_start3A_88] : memref<2048xi32, #tpu.memory_space<vmem>> -> memref<128xi32, #tpu.memory_space<vmem>>
    %dma_start3A_90 = arith.constant 0 : i32
    %dma_start3A_91 = arith.constant 0 : i32
    %dma_start3A_92 = tpu.memref_slice %arg14[%dma_start3A_90, %dma_start3A_91] : memref<2176x128xf32, #tpu.memory_space<vmem_shared>> -> memref<2176x128xf32, #tpu.memory_space<vmem_shared>>
    tpu.enqueue_indirect_dma source(%arg11 : memref<128x128xf32, #tpu.memory_space<vmem>>) target(%dma_start3A_92 : memref<2176x128xf32, #tpu.memory_space<vmem_shared>>) offsets(%dma_start3A_89 : memref<128xi32, #tpu.memory_space<vmem>>) semaphore(%arg24 : memref<!tpu.dma_semaphore, #tpu.memory_space<semaphore_mem>>) {add = true}
    %dma_wait3A_93 = arith.constant 128 : i32
    %dma_wait3A_94 = tpu.memref_slice %arg7[%dma_wait3A_93] : memref<2048xi32, #tpu.memory_space<vmem>> -> memref<128xi32, #tpu.memory_space<vmem>>
    %dma_wait3A_95 = arith.constant 0 : i32
    %dma_wait3A_96 = arith.constant 0 : i32
    %dma_wait3A_97 = tpu.memref_slice %arg14[%dma_wait3A_95, %dma_wait3A_96] : memref<2176x128xf32, #tpu.memory_space<vmem_shared>> -> memref<2176x128xf32, #tpu.memory_space<vmem_shared>>
    tpu.wait_indirect_dma semaphore(%arg22 : memref<!tpu.dma_semaphore, #tpu.memory_space<semaphore_mem>>) src(%arg9 : memref<128x128xf32, #tpu.memory_space<vmem>>) dst(%dma_wait3A_97 : memref<2176x128xf32, #tpu.memory_space<vmem_shared>>)
    %dma_start3A_98 = arith.constant 896 : i32
    %dma_start3A_99 = tpu.memref_slice %arg6[%dma_start3A_98] : memref<2048xi32, #tpu.memory_space<vmem>> -> memref<128xi32, #tpu.memory_space<vmem>>
    %dma_start3A_100 = arith.constant 0 : i32
    %dma_start3A_101 = arith.constant 0 : i32
    %dma_start3A_102 = tpu.memref_slice %arg2[%dma_start3A_100, %dma_start3A_101] : memref<2048x128xf32, #tpu.memory_space<hbm>> -> memref<2048x128xf32, #tpu.memory_space<hbm>>
    tpu.enqueue_indirect_dma source(%dma_start3A_102 : memref<2048x128xf32, #tpu.memory_space<hbm>>) target(%arg9 : memref<128x128xf32, #tpu.memory_space<vmem>>) offsets(%dma_start3A_99 : memref<128xi32, #tpu.memory_space<vmem>>) semaphore(%arg16 : memref<!tpu.dma_semaphore, #tpu.memory_space<semaphore_mem>>)
    %dma_wait3A_103 = arith.constant 512 : i32
    %dma_wait3A_104 = tpu.memref_slice %arg6[%dma_wait3A_103] : memref<2048xi32, #tpu.memory_space<vmem>> -> memref<128xi32, #tpu.memory_space<vmem>>
    %dma_wait3A_105 = arith.constant 0 : i32
    %dma_wait3A_106 = arith.constant 0 : i32
    %dma_wait3A_107 = tpu.memref_slice %arg2[%dma_wait3A_105, %dma_wait3A_106] : memref<2048x128xf32, #tpu.memory_space<hbm>> -> memref<2048x128xf32, #tpu.memory_space<hbm>>
    tpu.wait_indirect_dma semaphore(%arg19 : memref<!tpu.dma_semaphore, #tpu.memory_space<semaphore_mem>>) src(%dma_wait3A_107 : memref<2048x128xf32, #tpu.memory_space<hbm>>) dst(%arg12 : memref<128x128xf32, #tpu.memory_space<vmem>>)
    %dma_start3A_108 = arith.constant 512 : i32
    %dma_start3A_109 = tpu.memref_slice %arg7[%dma_start3A_108] : memref<2048xi32, #tpu.memory_space<vmem>> -> memref<128xi32, #tpu.memory_space<vmem>>
    %dma_start3A_110 = arith.constant 0 : i32
    %dma_start3A_111 = arith.constant 0 : i32
    %dma_start3A_112 = tpu.memref_slice %arg14[%dma_start3A_110, %dma_start3A_111] : memref<2176x128xf32, #tpu.memory_space<vmem_shared>> -> memref<2176x128xf32, #tpu.memory_space<vmem_shared>>
    tpu.enqueue_indirect_dma source(%arg12 : memref<128x128xf32, #tpu.memory_space<vmem>>) target(%dma_start3A_112 : memref<2176x128xf32, #tpu.memory_space<vmem_shared>>) offsets(%dma_start3A_109 : memref<128xi32, #tpu.memory_space<vmem>>) semaphore(%arg25 : memref<!tpu.dma_semaphore, #tpu.memory_space<semaphore_mem>>) {add = true}
    %dma_wait3A_113 = arith.constant 256 : i32
    %dma_wait3A_114 = tpu.memref_slice %arg7[%dma_wait3A_113] : memref<2048xi32, #tpu.memory_space<vmem>> -> memref<128xi32, #tpu.memory_space<vmem>>
    %dma_wait3A_115 = arith.constant 0 : i32
    %dma_wait3A_116 = arith.constant 0 : i32
    %dma_wait3A_117 = tpu.memref_slice %arg14[%dma_wait3A_115, %dma_wait3A_116] : memref<2176x128xf32, #tpu.memory_space<vmem_shared>> -> memref<2176x128xf32, #tpu.memory_space<vmem_shared>>
    tpu.wait_indirect_dma semaphore(%arg23 : memref<!tpu.dma_semaphore, #tpu.memory_space<semaphore_mem>>) src(%arg10 : memref<128x128xf32, #tpu.memory_space<vmem>>) dst(%dma_wait3A_117 : memref<2176x128xf32, #tpu.memory_space<vmem_shared>>)
    %dma_start3A_118 = arith.constant 1024 : i32
    %dma_start3A_119 = tpu.memref_slice %arg6[%dma_start3A_118] : memref<2048xi32, #tpu.memory_space<vmem>> -> memref<128xi32, #tpu.memory_space<vmem>>
    %dma_start3A_120 = arith.constant 0 : i32
    %dma_start3A_121 = arith.constant 0 : i32
    %dma_start3A_122 = tpu.memref_slice %arg2[%dma_start3A_120, %dma_start3A_121] : memref<2048x128xf32, #tpu.memory_space<hbm>> -> memref<2048x128xf32, #tpu.memory_space<hbm>>
    tpu.enqueue_indirect_dma source(%dma_start3A_122 : memref<2048x128xf32, #tpu.memory_space<hbm>>) target(%arg10 : memref<128x128xf32, #tpu.memory_space<vmem>>) offsets(%dma_start3A_119 : memref<128xi32, #tpu.memory_space<vmem>>) semaphore(%arg17 : memref<!tpu.dma_semaphore, #tpu.memory_space<semaphore_mem>>)
    %dma_wait3A_123 = arith.constant 640 : i32
    %dma_wait3A_124 = tpu.memref_slice %arg6[%dma_wait3A_123] : memref<2048xi32, #tpu.memory_space<vmem>> -> memref<128xi32, #tpu.memory_space<vmem>>
    %dma_wait3A_125 = arith.constant 0 : i32
    %dma_wait3A_126 = arith.constant 0 : i32
    %dma_wait3A_127 = tpu.memref_slice %arg2[%dma_wait3A_125, %dma_wait3A_126] : memref<2048x128xf32, #tpu.memory_space<hbm>> -> memref<2048x128xf32, #tpu.memory_space<hbm>>
    tpu.wait_indirect_dma semaphore(%arg20 : memref<!tpu.dma_semaphore, #tpu.memory_space<semaphore_mem>>) src(%dma_wait3A_127 : memref<2048x128xf32, #tpu.memory_space<hbm>>) dst(%arg13 : memref<128x128xf32, #tpu.memory_space<vmem>>)
    %dma_start3A_128 = arith.constant 640 : i32
    %dma_start3A_129 = tpu.memref_slice %arg7[%dma_start3A_128] : memref<2048xi32, #tpu.memory_space<vmem>> -> memref<128xi32, #tpu.memory_space<vmem>>
    %dma_start3A_130 = arith.constant 0 : i32
    %dma_start3A_131 = arith.constant 0 : i32
    %dma_start3A_132 = tpu.memref_slice %arg14[%dma_start3A_130, %dma_start3A_131] : memref<2176x128xf32, #tpu.memory_space<vmem_shared>> -> memref<2176x128xf32, #tpu.memory_space<vmem_shared>>
    tpu.enqueue_indirect_dma source(%arg13 : memref<128x128xf32, #tpu.memory_space<vmem>>) target(%dma_start3A_132 : memref<2176x128xf32, #tpu.memory_space<vmem_shared>>) offsets(%dma_start3A_129 : memref<128xi32, #tpu.memory_space<vmem>>) semaphore(%arg26 : memref<!tpu.dma_semaphore, #tpu.memory_space<semaphore_mem>>) {add = true}
    %dma_wait3A_133 = arith.constant 384 : i32
    %dma_wait3A_134 = tpu.memref_slice %arg7[%dma_wait3A_133] : memref<2048xi32, #tpu.memory_space<vmem>> -> memref<128xi32, #tpu.memory_space<vmem>>
    %dma_wait3A_135 = arith.constant 0 : i32
    %dma_wait3A_136 = arith.constant 0 : i32
    %dma_wait3A_137 = tpu.memref_slice %arg14[%dma_wait3A_135, %dma_wait3A_136] : memref<2176x128xf32, #tpu.memory_space<vmem_shared>> -> memref<2176x128xf32, #tpu.memory_space<vmem_shared>>
    tpu.wait_indirect_dma semaphore(%arg24 : memref<!tpu.dma_semaphore, #tpu.memory_space<semaphore_mem>>) src(%arg11 : memref<128x128xf32, #tpu.memory_space<vmem>>) dst(%dma_wait3A_137 : memref<2176x128xf32, #tpu.memory_space<vmem_shared>>)
    %dma_start3A_138 = arith.constant 1152 : i32
    %dma_start3A_139 = tpu.memref_slice %arg6[%dma_start3A_138] : memref<2048xi32, #tpu.memory_space<vmem>> -> memref<128xi32, #tpu.memory_space<vmem>>
    %dma_start3A_140 = arith.constant 0 : i32
    %dma_start3A_141 = arith.constant 0 : i32
    %dma_start3A_142 = tpu.memref_slice %arg2[%dma_start3A_140, %dma_start3A_141] : memref<2048x128xf32, #tpu.memory_space<hbm>> -> memref<2048x128xf32, #tpu.memory_space<hbm>>
    tpu.enqueue_indirect_dma source(%dma_start3A_142 : memref<2048x128xf32, #tpu.memory_space<hbm>>) target(%arg11 : memref<128x128xf32, #tpu.memory_space<vmem>>) offsets(%dma_start3A_139 : memref<128xi32, #tpu.memory_space<vmem>>) semaphore(%arg18 : memref<!tpu.dma_semaphore, #tpu.memory_space<semaphore_mem>>)
    %dma_wait3A_143 = arith.constant 768 : i32
    %dma_wait3A_144 = tpu.memref_slice %arg6[%dma_wait3A_143] : memref<2048xi32, #tpu.memory_space<vmem>> -> memref<128xi32, #tpu.memory_space<vmem>>
    %dma_wait3A_145 = arith.constant 0 : i32
    %dma_wait3A_146 = arith.constant 0 : i32
    %dma_wait3A_147 = tpu.memref_slice %arg2[%dma_wait3A_145, %dma_wait3A_146] : memref<2048x128xf32, #tpu.memory_space<hbm>> -> memref<2048x128xf32, #tpu.memory_space<hbm>>
    tpu.wait_indirect_dma semaphore(%arg15 : memref<!tpu.dma_semaphore, #tpu.memory_space<semaphore_mem>>) src(%dma_wait3A_147 : memref<2048x128xf32, #tpu.memory_space<hbm>>) dst(%arg8 : memref<128x128xf32, #tpu.memory_space<vmem>>)
    %dma_start3A_148 = arith.constant 768 : i32
    %dma_start3A_149 = tpu.memref_slice %arg7[%dma_start3A_148] : memref<2048xi32, #tpu.memory_space<vmem>> -> memref<128xi32, #tpu.memory_space<vmem>>
    %dma_start3A_150 = arith.constant 0 : i32
    %dma_start3A_151 = arith.constant 0 : i32
    %dma_start3A_152 = tpu.memref_slice %arg14[%dma_start3A_150, %dma_start3A_151] : memref<2176x128xf32, #tpu.memory_space<vmem_shared>> -> memref<2176x128xf32, #tpu.memory_space<vmem_shared>>
    tpu.enqueue_indirect_dma source(%arg8 : memref<128x128xf32, #tpu.memory_space<vmem>>) target(%dma_start3A_152 : memref<2176x128xf32, #tpu.memory_space<vmem_shared>>) offsets(%dma_start3A_149 : memref<128xi32, #tpu.memory_space<vmem>>) semaphore(%arg21 : memref<!tpu.dma_semaphore, #tpu.memory_space<semaphore_mem>>) {add = true}
    %dma_wait3A_153 = arith.constant 512 : i32
    %dma_wait3A_154 = tpu.memref_slice %arg7[%dma_wait3A_153] : memref<2048xi32, #tpu.memory_space<vmem>> -> memref<128xi32, #tpu.memory_space<vmem>>
    %dma_wait3A_155 = arith.constant 0 : i32
    %dma_wait3A_156 = arith.constant 0 : i32
    %dma_wait3A_157 = tpu.memref_slice %arg14[%dma_wait3A_155, %dma_wait3A_156] : memref<2176x128xf32, #tpu.memory_space<vmem_shared>> -> memref<2176x128xf32, #tpu.memory_space<vmem_shared>>
    tpu.wait_indirect_dma semaphore(%arg25 : memref<!tpu.dma_semaphore, #tpu.memory_space<semaphore_mem>>) src(%arg12 : memref<128x128xf32, #tpu.memory_space<vmem>>) dst(%dma_wait3A_157 : memref<2176x128xf32, #tpu.memory_space<vmem_shared>>)
    %dma_start3A_158 = arith.constant 1280 : i32
    %dma_start3A_159 = tpu.memref_slice %arg6[%dma_start3A_158] : memref<2048xi32, #tpu.memory_space<vmem>> -> memref<128xi32, #tpu.memory_space<vmem>>
    %dma_start3A_160 = arith.constant 0 : i32
    %dma_start3A_161 = arith.constant 0 : i32
    %dma_start3A_162 = tpu.memref_slice %arg2[%dma_start3A_160, %dma_start3A_161] : memref<2048x128xf32, #tpu.memory_space<hbm>> -> memref<2048x128xf32, #tpu.memory_space<hbm>>
    tpu.enqueue_indirect_dma source(%dma_start3A_162 : memref<2048x128xf32, #tpu.memory_space<hbm>>) target(%arg12 : memref<128x128xf32, #tpu.memory_space<vmem>>) offsets(%dma_start3A_159 : memref<128xi32, #tpu.memory_space<vmem>>) semaphore(%arg19 : memref<!tpu.dma_semaphore, #tpu.memory_space<semaphore_mem>>)
    %dma_wait3A_163 = arith.constant 896 : i32
    %dma_wait3A_164 = tpu.memref_slice %arg6[%dma_wait3A_163] : memref<2048xi32, #tpu.memory_space<vmem>> -> memref<128xi32, #tpu.memory_space<vmem>>
    %dma_wait3A_165 = arith.constant 0 : i32
    %dma_wait3A_166 = arith.constant 0 : i32
    %dma_wait3A_167 = tpu.memref_slice %arg2[%dma_wait3A_165, %dma_wait3A_166] : memref<2048x128xf32, #tpu.memory_space<hbm>> -> memref<2048x128xf32, #tpu.memory_space<hbm>>
    tpu.wait_indirect_dma semaphore(%arg16 : memref<!tpu.dma_semaphore, #tpu.memory_space<semaphore_mem>>) src(%dma_wait3A_167 : memref<2048x128xf32, #tpu.memory_space<hbm>>) dst(%arg9 : memref<128x128xf32, #tpu.memory_space<vmem>>)
    %dma_start3A_168 = arith.constant 896 : i32
    %dma_start3A_169 = tpu.memref_slice %arg7[%dma_start3A_168] : memref<2048xi32, #tpu.memory_space<vmem>> -> memref<128xi32, #tpu.memory_space<vmem>>
    %dma_start3A_170 = arith.constant 0 : i32
    %dma_start3A_171 = arith.constant 0 : i32
    %dma_start3A_172 = tpu.memref_slice %arg14[%dma_start3A_170, %dma_start3A_171] : memref<2176x128xf32, #tpu.memory_space<vmem_shared>> -> memref<2176x128xf32, #tpu.memory_space<vmem_shared>>
    tpu.enqueue_indirect_dma source(%arg9 : memref<128x128xf32, #tpu.memory_space<vmem>>) target(%dma_start3A_172 : memref<2176x128xf32, #tpu.memory_space<vmem_shared>>) offsets(%dma_start3A_169 : memref<128xi32, #tpu.memory_space<vmem>>) semaphore(%arg22 : memref<!tpu.dma_semaphore, #tpu.memory_space<semaphore_mem>>) {add = true}
    %dma_wait3A_173 = arith.constant 640 : i32
    %dma_wait3A_174 = tpu.memref_slice %arg7[%dma_wait3A_173] : memref<2048xi32, #tpu.memory_space<vmem>> -> memref<128xi32, #tpu.memory_space<vmem>>
    %dma_wait3A_175 = arith.constant 0 : i32
    %dma_wait3A_176 = arith.constant 0 : i32
    %dma_wait3A_177 = tpu.memref_slice %arg14[%dma_wait3A_175, %dma_wait3A_176] : memref<2176x128xf32, #tpu.memory_space<vmem_shared>> -> memref<2176x128xf32, #tpu.memory_space<vmem_shared>>
    tpu.wait_indirect_dma semaphore(%arg26 : memref<!tpu.dma_semaphore, #tpu.memory_space<semaphore_mem>>) src(%arg13 : memref<128x128xf32, #tpu.memory_space<vmem>>) dst(%dma_wait3A_177 : memref<2176x128xf32, #tpu.memory_space<vmem_shared>>)
    %dma_start3A_178 = arith.constant 1408 : i32
    %dma_start3A_179 = tpu.memref_slice %arg6[%dma_start3A_178] : memref<2048xi32, #tpu.memory_space<vmem>> -> memref<128xi32, #tpu.memory_space<vmem>>
    %dma_start3A_180 = arith.constant 0 : i32
    %dma_start3A_181 = arith.constant 0 : i32
    %dma_start3A_182 = tpu.memref_slice %arg2[%dma_start3A_180, %dma_start3A_181] : memref<2048x128xf32, #tpu.memory_space<hbm>> -> memref<2048x128xf32, #tpu.memory_space<hbm>>
    tpu.enqueue_indirect_dma source(%dma_start3A_182 : memref<2048x128xf32, #tpu.memory_space<hbm>>) target(%arg13 : memref<128x128xf32, #tpu.memory_space<vmem>>) offsets(%dma_start3A_179 : memref<128xi32, #tpu.memory_space<vmem>>) semaphore(%arg20 : memref<!tpu.dma_semaphore, #tpu.memory_space<semaphore_mem>>)
    %dma_wait3A_183 = arith.constant 1024 : i32
    %dma_wait3A_184 = tpu.memref_slice %arg6[%dma_wait3A_183] : memref<2048xi32, #tpu.memory_space<vmem>> -> memref<128xi32, #tpu.memory_space<vmem>>
    %dma_wait3A_185 = arith.constant 0 : i32
    %dma_wait3A_186 = arith.constant 0 : i32
    %dma_wait3A_187 = tpu.memref_slice %arg2[%dma_wait3A_185, %dma_wait3A_186] : memref<2048x128xf32, #tpu.memory_space<hbm>> -> memref<2048x128xf32, #tpu.memory_space<hbm>>
    tpu.wait_indirect_dma semaphore(%arg17 : memref<!tpu.dma_semaphore, #tpu.memory_space<semaphore_mem>>) src(%dma_wait3A_187 : memref<2048x128xf32, #tpu.memory_space<hbm>>) dst(%arg10 : memref<128x128xf32, #tpu.memory_space<vmem>>)
    %dma_start3A_188 = arith.constant 1024 : i32
    %dma_start3A_189 = tpu.memref_slice %arg7[%dma_start3A_188] : memref<2048xi32, #tpu.memory_space<vmem>> -> memref<128xi32, #tpu.memory_space<vmem>>
    %dma_start3A_190 = arith.constant 0 : i32
    %dma_start3A_191 = arith.constant 0 : i32
    %dma_start3A_192 = tpu.memref_slice %arg14[%dma_start3A_190, %dma_start3A_191] : memref<2176x128xf32, #tpu.memory_space<vmem_shared>> -> memref<2176x128xf32, #tpu.memory_space<vmem_shared>>
    tpu.enqueue_indirect_dma source(%arg10 : memref<128x128xf32, #tpu.memory_space<vmem>>) target(%dma_start3A_192 : memref<2176x128xf32, #tpu.memory_space<vmem_shared>>) offsets(%dma_start3A_189 : memref<128xi32, #tpu.memory_space<vmem>>) semaphore(%arg23 : memref<!tpu.dma_semaphore, #tpu.memory_space<semaphore_mem>>) {add = true}
    %dma_wait3A_193 = arith.constant 768 : i32
    %dma_wait3A_194 = tpu.memref_slice %arg7[%dma_wait3A_193] : memref<2048xi32, #tpu.memory_space<vmem>> -> memref<128xi32, #tpu.memory_space<vmem>>
    %dma_wait3A_195 = arith.constant 0 : i32
    %dma_wait3A_196 = arith.constant 0 : i32
    %dma_wait3A_197 = tpu.memref_slice %arg14[%dma_wait3A_195, %dma_wait3A_196] : memref<2176x128xf32, #tpu.memory_space<vmem_shared>> -> memref<2176x128xf32, #tpu.memory_space<vmem_shared>>
    tpu.wait_indirect_dma semaphore(%arg21 : memref<!tpu.dma_semaphore, #tpu.memory_space<semaphore_mem>>) src(%arg8 : memref<128x128xf32, #tpu.memory_space<vmem>>) dst(%dma_wait3A_197 : memref<2176x128xf32, #tpu.memory_space<vmem_shared>>)
    %dma_start3A_198 = arith.constant 1536 : i32
    %dma_start3A_199 = tpu.memref_slice %arg6[%dma_start3A_198] : memref<2048xi32, #tpu.memory_space<vmem>> -> memref<128xi32, #tpu.memory_space<vmem>>
    %dma_start3A_200 = arith.constant 0 : i32
    %dma_start3A_201 = arith.constant 0 : i32
    %dma_start3A_202 = tpu.memref_slice %arg2[%dma_start3A_200, %dma_start3A_201] : memref<2048x128xf32, #tpu.memory_space<hbm>> -> memref<2048x128xf32, #tpu.memory_space<hbm>>
    tpu.enqueue_indirect_dma source(%dma_start3A_202 : memref<2048x128xf32, #tpu.memory_space<hbm>>) target(%arg8 : memref<128x128xf32, #tpu.memory_space<vmem>>) offsets(%dma_start3A_199 : memref<128xi32, #tpu.memory_space<vmem>>) semaphore(%arg15 : memref<!tpu.dma_semaphore, #tpu.memory_space<semaphore_mem>>)
    %dma_wait3A_203 = arith.constant 1152 : i32
    %dma_wait3A_204 = tpu.memref_slice %arg6[%dma_wait3A_203] : memref<2048xi32, #tpu.memory_space<vmem>> -> memref<128xi32, #tpu.memory_space<vmem>>
    %dma_wait3A_205 = arith.constant 0 : i32
    %dma_wait3A_206 = arith.constant 0 : i32
    %dma_wait3A_207 = tpu.memref_slice %arg2[%dma_wait3A_205, %dma_wait3A_206] : memref<2048x128xf32, #tpu.memory_space<hbm>> -> memref<2048x128xf32, #tpu.memory_space<hbm>>
    tpu.wait_indirect_dma semaphore(%arg18 : memref<!tpu.dma_semaphore, #tpu.memory_space<semaphore_mem>>) src(%dma_wait3A_207 : memref<2048x128xf32, #tpu.memory_space<hbm>>) dst(%arg11 : memref<128x128xf32, #tpu.memory_space<vmem>>)
    %dma_start3A_208 = arith.constant 1152 : i32
    %dma_start3A_209 = tpu.memref_slice %arg7[%dma_start3A_208] : memref<2048xi32, #tpu.memory_space<vmem>> -> memref<128xi32, #tpu.memory_space<vmem>>
    %dma_start3A_210 = arith.constant 0 : i32
    %dma_start3A_211 = arith.constant 0 : i32
    %dma_start3A_212 = tpu.memref_slice %arg14[%dma_start3A_210, %dma_start3A_211] : memref<2176x128xf32, #tpu.memory_space<vmem_shared>> -> memref<2176x128xf32, #tpu.memory_space<vmem_shared>>
    tpu.enqueue_indirect_dma source(%arg11 : memref<128x128xf32, #tpu.memory_space<vmem>>) target(%dma_start3A_212 : memref<2176x128xf32, #tpu.memory_space<vmem_shared>>) offsets(%dma_start3A_209 : memref<128xi32, #tpu.memory_space<vmem>>) semaphore(%arg24 : memref<!tpu.dma_semaphore, #tpu.memory_space<semaphore_mem>>) {add = true}
    %dma_wait3A_213 = arith.constant 896 : i32
    %dma_wait3A_214 = tpu.memref_slice %arg7[%dma_wait3A_213] : memref<2048xi32, #tpu.memory_space<vmem>> -> memref<128xi32, #tpu.memory_space<vmem>>
    %dma_wait3A_215 = arith.constant 0 : i32
    %dma_wait3A_216 = arith.constant 0 : i32
    %dma_wait3A_217 = tpu.memref_slice %arg14[%dma_wait3A_215, %dma_wait3A_216] : memref<2176x128xf32, #tpu.memory_space<vmem_shared>> -> memref<2176x128xf32, #tpu.memory_space<vmem_shared>>
    tpu.wait_indirect_dma semaphore(%arg22 : memref<!tpu.dma_semaphore, #tpu.memory_space<semaphore_mem>>) src(%arg9 : memref<128x128xf32, #tpu.memory_space<vmem>>) dst(%dma_wait3A_217 : memref<2176x128xf32, #tpu.memory_space<vmem_shared>>)
    %dma_start3A_218 = arith.constant 1664 : i32
    %dma_start3A_219 = tpu.memref_slice %arg6[%dma_start3A_218] : memref<2048xi32, #tpu.memory_space<vmem>> -> memref<128xi32, #tpu.memory_space<vmem>>
    %dma_start3A_220 = arith.constant 0 : i32
    %dma_start3A_221 = arith.constant 0 : i32
    %dma_start3A_222 = tpu.memref_slice %arg2[%dma_start3A_220, %dma_start3A_221] : memref<2048x128xf32, #tpu.memory_space<hbm>> -> memref<2048x128xf32, #tpu.memory_space<hbm>>
    tpu.enqueue_indirect_dma source(%dma_start3A_222 : memref<2048x128xf32, #tpu.memory_space<hbm>>) target(%arg9 : memref<128x128xf32, #tpu.memory_space<vmem>>) offsets(%dma_start3A_219 : memref<128xi32, #tpu.memory_space<vmem>>) semaphore(%arg16 : memref<!tpu.dma_semaphore, #tpu.memory_space<semaphore_mem>>)
    %dma_wait3A_223 = arith.constant 1280 : i32
    %dma_wait3A_224 = tpu.memref_slice %arg6[%dma_wait3A_223] : memref<2048xi32, #tpu.memory_space<vmem>> -> memref<128xi32, #tpu.memory_space<vmem>>
    %dma_wait3A_225 = arith.constant 0 : i32
    %dma_wait3A_226 = arith.constant 0 : i32
    %dma_wait3A_227 = tpu.memref_slice %arg2[%dma_wait3A_225, %dma_wait3A_226] : memref<2048x128xf32, #tpu.memory_space<hbm>> -> memref<2048x128xf32, #tpu.memory_space<hbm>>
    tpu.wait_indirect_dma semaphore(%arg19 : memref<!tpu.dma_semaphore, #tpu.memory_space<semaphore_mem>>) src(%dma_wait3A_227 : memref<2048x128xf32, #tpu.memory_space<hbm>>) dst(%arg12 : memref<128x128xf32, #tpu.memory_space<vmem>>)
    %dma_start3A_228 = arith.constant 1280 : i32
    %dma_start3A_229 = tpu.memref_slice %arg7[%dma_start3A_228] : memref<2048xi32, #tpu.memory_space<vmem>> -> memref<128xi32, #tpu.memory_space<vmem>>
    %dma_start3A_230 = arith.constant 0 : i32
    %dma_start3A_231 = arith.constant 0 : i32
    %dma_start3A_232 = tpu.memref_slice %arg14[%dma_start3A_230, %dma_start3A_231] : memref<2176x128xf32, #tpu.memory_space<vmem_shared>> -> memref<2176x128xf32, #tpu.memory_space<vmem_shared>>
    tpu.enqueue_indirect_dma source(%arg12 : memref<128x128xf32, #tpu.memory_space<vmem>>) target(%dma_start3A_232 : memref<2176x128xf32, #tpu.memory_space<vmem_shared>>) offsets(%dma_start3A_229 : memref<128xi32, #tpu.memory_space<vmem>>) semaphore(%arg25 : memref<!tpu.dma_semaphore, #tpu.memory_space<semaphore_mem>>) {add = true}
    %dma_wait3A_233 = arith.constant 1024 : i32
    %dma_wait3A_234 = tpu.memref_slice %arg7[%dma_wait3A_233] : memref<2048xi32, #tpu.memory_space<vmem>> -> memref<128xi32, #tpu.memory_space<vmem>>
    %dma_wait3A_235 = arith.constant 0 : i32
    %dma_wait3A_236 = arith.constant 0 : i32
    %dma_wait3A_237 = tpu.memref_slice %arg14[%dma_wait3A_235, %dma_wait3A_236] : memref<2176x128xf32, #tpu.memory_space<vmem_shared>> -> memref<2176x128xf32, #tpu.memory_space<vmem_shared>>
    tpu.wait_indirect_dma semaphore(%arg23 : memref<!tpu.dma_semaphore, #tpu.memory_space<semaphore_mem>>) src(%arg10 : memref<128x128xf32, #tpu.memory_space<vmem>>) dst(%dma_wait3A_237 : memref<2176x128xf32, #tpu.memory_space<vmem_shared>>)
    %dma_start3A_238 = arith.constant 1792 : i32
    %dma_start3A_239 = tpu.memref_slice %arg6[%dma_start3A_238] : memref<2048xi32, #tpu.memory_space<vmem>> -> memref<128xi32, #tpu.memory_space<vmem>>
    %dma_start3A_240 = arith.constant 0 : i32
    %dma_start3A_241 = arith.constant 0 : i32
    %dma_start3A_242 = tpu.memref_slice %arg2[%dma_start3A_240, %dma_start3A_241] : memref<2048x128xf32, #tpu.memory_space<hbm>> -> memref<2048x128xf32, #tpu.memory_space<hbm>>
    tpu.enqueue_indirect_dma source(%dma_start3A_242 : memref<2048x128xf32, #tpu.memory_space<hbm>>) target(%arg10 : memref<128x128xf32, #tpu.memory_space<vmem>>) offsets(%dma_start3A_239 : memref<128xi32, #tpu.memory_space<vmem>>) semaphore(%arg17 : memref<!tpu.dma_semaphore, #tpu.memory_space<semaphore_mem>>)
    %dma_wait3A_243 = arith.constant 1408 : i32
    %dma_wait3A_244 = tpu.memref_slice %arg6[%dma_wait3A_243] : memref<2048xi32, #tpu.memory_space<vmem>> -> memref<128xi32, #tpu.memory_space<vmem>>
    %dma_wait3A_245 = arith.constant 0 : i32
    %dma_wait3A_246 = arith.constant 0 : i32
    %dma_wait3A_247 = tpu.memref_slice %arg2[%dma_wait3A_245, %dma_wait3A_246] : memref<2048x128xf32, #tpu.memory_space<hbm>> -> memref<2048x128xf32, #tpu.memory_space<hbm>>
    tpu.wait_indirect_dma semaphore(%arg20 : memref<!tpu.dma_semaphore, #tpu.memory_space<semaphore_mem>>) src(%dma_wait3A_247 : memref<2048x128xf32, #tpu.memory_space<hbm>>) dst(%arg13 : memref<128x128xf32, #tpu.memory_space<vmem>>)
    %dma_start3A_248 = arith.constant 1408 : i32
    %dma_start3A_249 = tpu.memref_slice %arg7[%dma_start3A_248] : memref<2048xi32, #tpu.memory_space<vmem>> -> memref<128xi32, #tpu.memory_space<vmem>>
    %dma_start3A_250 = arith.constant 0 : i32
    %dma_start3A_251 = arith.constant 0 : i32
    %dma_start3A_252 = tpu.memref_slice %arg14[%dma_start3A_250, %dma_start3A_251] : memref<2176x128xf32, #tpu.memory_space<vmem_shared>> -> memref<2176x128xf32, #tpu.memory_space<vmem_shared>>
    tpu.enqueue_indirect_dma source(%arg13 : memref<128x128xf32, #tpu.memory_space<vmem>>) target(%dma_start3A_252 : memref<2176x128xf32, #tpu.memory_space<vmem_shared>>) offsets(%dma_start3A_249 : memref<128xi32, #tpu.memory_space<vmem>>) semaphore(%arg26 : memref<!tpu.dma_semaphore, #tpu.memory_space<semaphore_mem>>) {add = true}
    %dma_wait3A_253 = arith.constant 1152 : i32
    %dma_wait3A_254 = tpu.memref_slice %arg7[%dma_wait3A_253] : memref<2048xi32, #tpu.memory_space<vmem>> -> memref<128xi32, #tpu.memory_space<vmem>>
    %dma_wait3A_255 = arith.constant 0 : i32
    %dma_wait3A_256 = arith.constant 0 : i32
    %dma_wait3A_257 = tpu.memref_slice %arg14[%dma_wait3A_255, %dma_wait3A_256] : memref<2176x128xf32, #tpu.memory_space<vmem_shared>> -> memref<2176x128xf32, #tpu.memory_space<vmem_shared>>
    tpu.wait_indirect_dma semaphore(%arg24 : memref<!tpu.dma_semaphore, #tpu.memory_space<semaphore_mem>>) src(%arg11 : memref<128x128xf32, #tpu.memory_space<vmem>>) dst(%dma_wait3A_257 : memref<2176x128xf32, #tpu.memory_space<vmem_shared>>)
    %dma_start3A_258 = arith.constant 1920 : i32
    %dma_start3A_259 = tpu.memref_slice %arg6[%dma_start3A_258] : memref<2048xi32, #tpu.memory_space<vmem>> -> memref<128xi32, #tpu.memory_space<vmem>>
    %dma_start3A_260 = arith.constant 0 : i32
    %dma_start3A_261 = arith.constant 0 : i32
    %dma_start3A_262 = tpu.memref_slice %arg2[%dma_start3A_260, %dma_start3A_261] : memref<2048x128xf32, #tpu.memory_space<hbm>> -> memref<2048x128xf32, #tpu.memory_space<hbm>>
    tpu.enqueue_indirect_dma source(%dma_start3A_262 : memref<2048x128xf32, #tpu.memory_space<hbm>>) target(%arg11 : memref<128x128xf32, #tpu.memory_space<vmem>>) offsets(%dma_start3A_259 : memref<128xi32, #tpu.memory_space<vmem>>) semaphore(%arg18 : memref<!tpu.dma_semaphore, #tpu.memory_space<semaphore_mem>>)
    %dma_wait3A_263 = arith.constant 1536 : i32
    %dma_wait3A_264 = tpu.memref_slice %arg6[%dma_wait3A_263] : memref<2048xi32, #tpu.memory_space<vmem>> -> memref<128xi32, #tpu.memory_space<vmem>>
    %dma_wait3A_265 = arith.constant 0 : i32
    %dma_wait3A_266 = arith.constant 0 : i32
    %dma_wait3A_267 = tpu.memref_slice %arg2[%dma_wait3A_265, %dma_wait3A_266] : memref<2048x128xf32, #tpu.memory_space<hbm>> -> memref<2048x128xf32, #tpu.memory_space<hbm>>
    tpu.wait_indirect_dma semaphore(%arg15 : memref<!tpu.dma_semaphore, #tpu.memory_space<semaphore_mem>>) src(%dma_wait3A_267 : memref<2048x128xf32, #tpu.memory_space<hbm>>) dst(%arg8 : memref<128x128xf32, #tpu.memory_space<vmem>>)
    %dma_start3A_268 = arith.constant 1536 : i32
    %dma_start3A_269 = tpu.memref_slice %arg7[%dma_start3A_268] : memref<2048xi32, #tpu.memory_space<vmem>> -> memref<128xi32, #tpu.memory_space<vmem>>
    %dma_start3A_270 = arith.constant 0 : i32
    %dma_start3A_271 = arith.constant 0 : i32
    %dma_start3A_272 = tpu.memref_slice %arg14[%dma_start3A_270, %dma_start3A_271] : memref<2176x128xf32, #tpu.memory_space<vmem_shared>> -> memref<2176x128xf32, #tpu.memory_space<vmem_shared>>
    tpu.enqueue_indirect_dma source(%arg8 : memref<128x128xf32, #tpu.memory_space<vmem>>) target(%dma_start3A_272 : memref<2176x128xf32, #tpu.memory_space<vmem_shared>>) offsets(%dma_start3A_269 : memref<128xi32, #tpu.memory_space<vmem>>) semaphore(%arg21 : memref<!tpu.dma_semaphore, #tpu.memory_space<semaphore_mem>>) {add = true}
    %dma_wait3A_273 = arith.constant 1664 : i32
    %dma_wait3A_274 = tpu.memref_slice %arg6[%dma_wait3A_273] : memref<2048xi32, #tpu.memory_space<vmem>> -> memref<128xi32, #tpu.memory_space<vmem>>
    %dma_wait3A_275 = arith.constant 0 : i32
    %dma_wait3A_276 = arith.constant 0 : i32
    %dma_wait3A_277 = tpu.memref_slice %arg2[%dma_wait3A_275, %dma_wait3A_276] : memref<2048x128xf32, #tpu.memory_space<hbm>> -> memref<2048x128xf32, #tpu.memory_space<hbm>>
    tpu.wait_indirect_dma semaphore(%arg16 : memref<!tpu.dma_semaphore, #tpu.memory_space<semaphore_mem>>) src(%dma_wait3A_277 : memref<2048x128xf32, #tpu.memory_space<hbm>>) dst(%arg9 : memref<128x128xf32, #tpu.memory_space<vmem>>)
    %dma_start3A_278 = arith.constant 1664 : i32
    %dma_start3A_279 = tpu.memref_slice %arg7[%dma_start3A_278] : memref<2048xi32, #tpu.memory_space<vmem>> -> memref<128xi32, #tpu.memory_space<vmem>>
    %dma_start3A_280 = arith.constant 0 : i32
    %dma_start3A_281 = arith.constant 0 : i32
    %dma_start3A_282 = tpu.memref_slice %arg14[%dma_start3A_280, %dma_start3A_281] : memref<2176x128xf32, #tpu.memory_space<vmem_shared>> -> memref<2176x128xf32, #tpu.memory_space<vmem_shared>>
    tpu.enqueue_indirect_dma source(%arg9 : memref<128x128xf32, #tpu.memory_space<vmem>>) target(%dma_start3A_282 : memref<2176x128xf32, #tpu.memory_space<vmem_shared>>) offsets(%dma_start3A_279 : memref<128xi32, #tpu.memory_space<vmem>>) semaphore(%arg22 : memref<!tpu.dma_semaphore, #tpu.memory_space<semaphore_mem>>) {add = true}
    %dma_wait3A_283 = arith.constant 1792 : i32
    %dma_wait3A_284 = tpu.memref_slice %arg6[%dma_wait3A_283] : memref<2048xi32, #tpu.memory_space<vmem>> -> memref<128xi32, #tpu.memory_space<vmem>>
    %dma_wait3A_285 = arith.constant 0 : i32
    %dma_wait3A_286 = arith.constant 0 : i32
    %dma_wait3A_287 = tpu.memref_slice %arg2[%dma_wait3A_285, %dma_wait3A_286] : memref<2048x128xf32, #tpu.memory_space<hbm>> -> memref<2048x128xf32, #tpu.memory_space<hbm>>
    tpu.wait_indirect_dma semaphore(%arg17 : memref<!tpu.dma_semaphore, #tpu.memory_space<semaphore_mem>>) src(%dma_wait3A_287 : memref<2048x128xf32, #tpu.memory_space<hbm>>) dst(%arg10 : memref<128x128xf32, #tpu.memory_space<vmem>>)
    %dma_start3A_288 = arith.constant 1792 : i32
    %dma_start3A_289 = tpu.memref_slice %arg7[%dma_start3A_288] : memref<2048xi32, #tpu.memory_space<vmem>> -> memref<128xi32, #tpu.memory_space<vmem>>
    %dma_start3A_290 = arith.constant 0 : i32
    %dma_start3A_291 = arith.constant 0 : i32
    %dma_start3A_292 = tpu.memref_slice %arg14[%dma_start3A_290, %dma_start3A_291] : memref<2176x128xf32, #tpu.memory_space<vmem_shared>> -> memref<2176x128xf32, #tpu.memory_space<vmem_shared>>
    tpu.enqueue_indirect_dma source(%arg10 : memref<128x128xf32, #tpu.memory_space<vmem>>) target(%dma_start3A_292 : memref<2176x128xf32, #tpu.memory_space<vmem_shared>>) offsets(%dma_start3A_289 : memref<128xi32, #tpu.memory_space<vmem>>) semaphore(%arg23 : memref<!tpu.dma_semaphore, #tpu.memory_space<semaphore_mem>>) {add = true}
    %dma_wait3A_293 = arith.constant 1920 : i32
    %dma_wait3A_294 = tpu.memref_slice %arg6[%dma_wait3A_293] : memref<2048xi32, #tpu.memory_space<vmem>> -> memref<128xi32, #tpu.memory_space<vmem>>
    %dma_wait3A_295 = arith.constant 0 : i32
    %dma_wait3A_296 = arith.constant 0 : i32
    %dma_wait3A_297 = tpu.memref_slice %arg2[%dma_wait3A_295, %dma_wait3A_296] : memref<2048x128xf32, #tpu.memory_space<hbm>> -> memref<2048x128xf32, #tpu.memory_space<hbm>>
    tpu.wait_indirect_dma semaphore(%arg18 : memref<!tpu.dma_semaphore, #tpu.memory_space<semaphore_mem>>) src(%dma_wait3A_297 : memref<2048x128xf32, #tpu.memory_space<hbm>>) dst(%arg11 : memref<128x128xf32, #tpu.memory_space<vmem>>)
    %dma_start3A_298 = arith.constant 1920 : i32
    %dma_start3A_299 = tpu.memref_slice %arg7[%dma_start3A_298] : memref<2048xi32, #tpu.memory_space<vmem>> -> memref<128xi32, #tpu.memory_space<vmem>>
    %dma_start3A_300 = arith.constant 0 : i32
    %dma_start3A_301 = arith.constant 0 : i32
    %dma_start3A_302 = tpu.memref_slice %arg14[%dma_start3A_300, %dma_start3A_301] : memref<2176x128xf32, #tpu.memory_space<vmem_shared>> -> memref<2176x128xf32, #tpu.memory_space<vmem_shared>>
    tpu.enqueue_indirect_dma source(%arg11 : memref<128x128xf32, #tpu.memory_space<vmem>>) target(%dma_start3A_302 : memref<2176x128xf32, #tpu.memory_space<vmem_shared>>) offsets(%dma_start3A_299 : memref<128xi32, #tpu.memory_space<vmem>>) semaphore(%arg24 : memref<!tpu.dma_semaphore, #tpu.memory_space<semaphore_mem>>) {add = true}
    %dma_wait3A_303 = arith.constant 1280 : i32
    %dma_wait3A_304 = tpu.memref_slice %arg7[%dma_wait3A_303] : memref<2048xi32, #tpu.memory_space<vmem>> -> memref<128xi32, #tpu.memory_space<vmem>>
    %dma_wait3A_305 = arith.constant 0 : i32
    %dma_wait3A_306 = arith.constant 0 : i32
    %dma_wait3A_307 = tpu.memref_slice %arg14[%dma_wait3A_305, %dma_wait3A_306] : memref<2176x128xf32, #tpu.memory_space<vmem_shared>> -> memref<2176x128xf32, #tpu.memory_space<vmem_shared>>
    tpu.wait_indirect_dma semaphore(%arg25 : memref<!tpu.dma_semaphore, #tpu.memory_space<semaphore_mem>>) src(%arg12 : memref<128x128xf32, #tpu.memory_space<vmem>>) dst(%dma_wait3A_307 : memref<2176x128xf32, #tpu.memory_space<vmem_shared>>)
    %dma_wait3A_308 = arith.constant 1408 : i32
    %dma_wait3A_309 = tpu.memref_slice %arg7[%dma_wait3A_308] : memref<2048xi32, #tpu.memory_space<vmem>> -> memref<128xi32, #tpu.memory_space<vmem>>
    %dma_wait3A_310 = arith.constant 0 : i32
    %dma_wait3A_311 = arith.constant 0 : i32
    %dma_wait3A_312 = tpu.memref_slice %arg14[%dma_wait3A_310, %dma_wait3A_311] : memref<2176x128xf32, #tpu.memory_space<vmem_shared>> -> memref<2176x128xf32, #tpu.memory_space<vmem_shared>>
    tpu.wait_indirect_dma semaphore(%arg26 : memref<!tpu.dma_semaphore, #tpu.memory_space<semaphore_mem>>) src(%arg13 : memref<128x128xf32, #tpu.memory_space<vmem>>) dst(%dma_wait3A_312 : memref<2176x128xf32, #tpu.memory_space<vmem_shared>>)
    %dma_wait3A_313 = arith.constant 1536 : i32
    %dma_wait3A_314 = tpu.memref_slice %arg7[%dma_wait3A_313] : memref<2048xi32, #tpu.memory_space<vmem>> -> memref<128xi32, #tpu.memory_space<vmem>>
    %dma_wait3A_315 = arith.constant 0 : i32
    %dma_wait3A_316 = arith.constant 0 : i32
    %dma_wait3A_317 = tpu.memref_slice %arg14[%dma_wait3A_315, %dma_wait3A_316] : memref<2176x128xf32, #tpu.memory_space<vmem_shared>> -> memref<2176x128xf32, #tpu.memory_space<vmem_shared>>
    tpu.wait_indirect_dma semaphore(%arg21 : memref<!tpu.dma_semaphore, #tpu.memory_space<semaphore_mem>>) src(%arg8 : memref<128x128xf32, #tpu.memory_space<vmem>>) dst(%dma_wait3A_317 : memref<2176x128xf32, #tpu.memory_space<vmem_shared>>)
    %dma_wait3A_318 = arith.constant 1664 : i32
    %dma_wait3A_319 = tpu.memref_slice %arg7[%dma_wait3A_318] : memref<2048xi32, #tpu.memory_space<vmem>> -> memref<128xi32, #tpu.memory_space<vmem>>
    %dma_wait3A_320 = arith.constant 0 : i32
    %dma_wait3A_321 = arith.constant 0 : i32
    %dma_wait3A_322 = tpu.memref_slice %arg14[%dma_wait3A_320, %dma_wait3A_321] : memref<2176x128xf32, #tpu.memory_space<vmem_shared>> -> memref<2176x128xf32, #tpu.memory_space<vmem_shared>>
    tpu.wait_indirect_dma semaphore(%arg22 : memref<!tpu.dma_semaphore, #tpu.memory_space<semaphore_mem>>) src(%arg9 : memref<128x128xf32, #tpu.memory_space<vmem>>) dst(%dma_wait3A_322 : memref<2176x128xf32, #tpu.memory_space<vmem_shared>>)
    %dma_wait3A_323 = arith.constant 1792 : i32
    %dma_wait3A_324 = tpu.memref_slice %arg7[%dma_wait3A_323] : memref<2048xi32, #tpu.memory_space<vmem>> -> memref<128xi32, #tpu.memory_space<vmem>>
    %dma_wait3A_325 = arith.constant 0 : i32
    %dma_wait3A_326 = arith.constant 0 : i32
    %dma_wait3A_327 = tpu.memref_slice %arg14[%dma_wait3A_325, %dma_wait3A_326] : memref<2176x128xf32, #tpu.memory_space<vmem_shared>> -> memref<2176x128xf32, #tpu.memory_space<vmem_shared>>
    tpu.wait_indirect_dma semaphore(%arg23 : memref<!tpu.dma_semaphore, #tpu.memory_space<semaphore_mem>>) src(%arg10 : memref<128x128xf32, #tpu.memory_space<vmem>>) dst(%dma_wait3A_327 : memref<2176x128xf32, #tpu.memory_space<vmem_shared>>)
    %dma_wait3A_328 = arith.constant 1920 : i32
    %dma_wait3A_329 = tpu.memref_slice %arg7[%dma_wait3A_328] : memref<2048xi32, #tpu.memory_space<vmem>> -> memref<128xi32, #tpu.memory_space<vmem>>
    %dma_wait3A_330 = arith.constant 0 : i32
    %dma_wait3A_331 = arith.constant 0 : i32
    %dma_wait3A_332 = tpu.memref_slice %arg14[%dma_wait3A_330, %dma_wait3A_331] : memref<2176x128xf32, #tpu.memory_space<vmem_shared>> -> memref<2176x128xf32, #tpu.memory_space<vmem_shared>>
    tpu.wait_indirect_dma semaphore(%arg24 : memref<!tpu.dma_semaphore, #tpu.memory_space<semaphore_mem>>) src(%arg11 : memref<128x128xf32, #tpu.memory_space<vmem>>) dst(%dma_wait3A_332 : memref<2176x128xf32, #tpu.memory_space<vmem_shared>>)
    %barrier3A_333 = arith.constant 0 : index
    tpu.barrier barrier_id(%barrier3A_333)
    %mul3A_334 = arith.constant 136 : i32
    %mul3A_335 = arith.muli %arg1, %mul3A_334 : i32
    %mul3A_336 = arith.constant 2176 : i32
    %mul3A_337 = arith.muli %arg0, %mul3A_336 : i32
    %mul3A_338 = arith.constant 136 : i32
    %mul3A_339 = arith.muli %arg1, %mul3A_338 : i32
    %add3A_340 = arith.addi %mul3A_337, %mul3A_339 : i32
    "tpu.region"() ({
      %run_scoped3A = tpu.sem_alloc : memref<!tpu.dma_semaphore, #tpu.memory_space<semaphore_mem>>
      %dma_start3A_341 = arith.constant 0 : i32
      %dma_start3A_342 = tpu.memref_slice %arg5[%add3A_340, %dma_start3A_341] : memref<4352x128xf32, #tpu.memory_space<hbm>> -> memref<136x128xf32, #tpu.memory_space<hbm>>
      %dma_start3A_343 = arith.constant 0 : i32
      %dma_start3A_344 = tpu.memref_slice %arg14[%mul3A_335, %dma_start3A_343] : memref<2176x128xf32, #tpu.memory_space<vmem_shared>> -> memref<136x128xf32, #tpu.memory_space<vmem_shared>>
      tpu.enqueue_dma source(%dma_start3A_344 : memref<136x128xf32, #tpu.memory_space<vmem_shared>>) target(%dma_start3A_342 : memref<136x128xf32, #tpu.memory_space<hbm>>) target_semaphore(%run_scoped3A : memref<!tpu.dma_semaphore, #tpu.memory_space<semaphore_mem>>)
      %dma_wait3A_345 = arith.constant 0 : i32
      %dma_wait3A_346 = tpu.memref_slice %arg5[%add3A_340, %dma_wait3A_345] : memref<4352x128xf32, #tpu.memory_space<hbm>> -> memref<136x128xf32, #tpu.memory_space<hbm>>
      %dma_wait3A_347 = arith.constant 0 : i32
      %dma_wait3A_348 = tpu.memref_slice %arg14[%mul3A_335, %dma_wait3A_347] : memref<2176x128xf32, #tpu.memory_space<vmem_shared>> -> memref<136x128xf32, #tpu.memory_space<vmem_shared>>
      tpu.wait_dma2 semaphore(%run_scoped3A : memref<!tpu.dma_semaphore, #tpu.memory_space<semaphore_mem>>) src(%dma_wait3A_348 : memref<136x128xf32, #tpu.memory_space<vmem_shared>>) dst(%dma_wait3A_346 : memref<136x128xf32, #tpu.memory_space<hbm>>)
      tpu.yield
    }) : () -> ()
    return
  }
}

module attributes {stable_mosaic.version = 14 : i64} {
  func.func @_tc_body(%arg0: memref<4352x128xf32, #tpu.memory_space<vmem>>, %arg1: memref<2048x64xf32, #tpu.memory_space<vmem>>, %arg2: memref<2048x64xf32, #tpu.memory_space<vmem>>, %arg3: memref<2048x64xf32, #tpu.memory_space<vmem>>, %arg4: memref<128x128xf32, #tpu.memory_space<vmem>>, %arg5: memref<64x64xf32, #tpu.memory_space<vmem>>, %arg6: memref<64x64xf32, #tpu.memory_space<vmem>>, %arg7: memref<1x128xf32, #tpu.memory_space<vmem>>, %arg8: memref<1x64xf32, #tpu.memory_space<vmem>>, %arg9: memref<1x64xf32, #tpu.memory_space<vmem>>, %arg10: memref<1x64xf32, #tpu.memory_space<vmem>>, %arg11: memref<1x64xf32, #tpu.memory_space<vmem>>, %arg12: memref<2048x64xf32, #tpu.memory_space<vmem>>) attributes {dimension_semantics = [], scalar_prefetch = 0 : i64, scratch_operands = 0 : i64, tpu.core_type = #tpu.core_type<tc>} {
    %get3A = arith.constant 0 : index
    %get3A_0 = arith.constant 0 : index
    %get3A_1 = vector.load %arg0[%get3A, %get3A_0] : memref<4352x128xf32, #tpu.memory_space<vmem>>, vector<2048x128xf32>
    %get3A_2 = arith.constant 2176 : index
    %get3A_3 = arith.constant 0 : index
    %get3A_4 = vector.load %arg0[%get3A_2, %get3A_3] : memref<4352x128xf32, #tpu.memory_space<vmem>>, vector<2048x128xf32>
    %add3A = arith.addf %get3A_1, %get3A_4 : vector<2048x128xf32>
    %get3A_5 = arith.constant 0 : index
    %get3A_6 = arith.constant 0 : index
    %get3A_7 = vector.load %arg1[%get3A_5, %get3A_6] : memref<2048x64xf32, #tpu.memory_space<vmem>>, vector<2048x64xf32>
    %get3A_8 = arith.constant 0 : index
    %get3A_9 = arith.constant 0 : index
    %get3A_10 = vector.load %arg2[%get3A_8, %get3A_9] : memref<2048x64xf32, #tpu.memory_space<vmem>>, vector<2048x64xf32>
    %concatenate3A = tpu.concatenate %get3A_7, %get3A_10 in 1 : vector<2048x64xf32>, vector<2048x64xf32> -> vector<2048x128xf32>
    %dot_general3A = arith.constant dense<0.000000e+00> : vector<128x128xf32>
    %dot_general3A_11 = tpu.matmul %concatenate3A, %add3A, %dot_general3A {dimension_numbers = #tpu.dot_dimension_numbers<[0], [0], [1], [1], [0, 1, 1, 1], [], []>, transpose_lhs_hint = false} : vector<2048x128xf32>, vector<2048x128xf32>, vector<128x128xf32> -> vector<128x128xf32>
    %slice3A = vector.extract_strided_slice %dot_general3A_11 {offsets = [0, 0], sizes = [64, 64], strides = [1, 1]} : vector<128x128xf32> to vector<64x64xf32>
    %slice3A_12 = vector.extract_strided_slice %dot_general3A_11 {offsets = [64, 64], sizes = [64, 64], strides = [1, 1]} : vector<128x128xf32> to vector<64x64xf32>
    %get3A_13 = arith.constant 0 : index
    %get3A_14 = arith.constant 0 : index
    %get3A_15 = vector.load %arg3[%get3A_13, %get3A_14] : memref<2048x64xf32, #tpu.memory_space<vmem>>, vector<2048x64xf32>
    %get3A_16 = arith.constant 0 : index
    %get3A_17 = arith.constant 0 : index
    %get3A_18 = vector.load %arg4[%get3A_16, %get3A_17] : memref<128x128xf32, #tpu.memory_space<vmem>>, vector<128x128xf32>
    %get3A_19 = arith.constant 0 : index
    %get3A_20 = arith.constant 0 : index
    %get3A_21 = vector.load %arg5[%get3A_19, %get3A_20] : memref<64x64xf32, #tpu.memory_space<vmem>>, vector<64x64xf32>
    %get3A_22 = arith.constant 0 : index
    %get3A_23 = arith.constant 0 : index
    %get3A_24 = vector.load %arg6[%get3A_22, %get3A_23] : memref<64x64xf32, #tpu.memory_space<vmem>>, vector<64x64xf32>
    %get3A_25 = arith.constant 0 : index
    %get3A_26 = arith.constant 0 : index
    %get3A_27 = vector.load %arg7[%get3A_25, %get3A_26] : memref<1x128xf32, #tpu.memory_space<vmem>>, vector<1x128xf32>
    %dot_general3A_28 = arith.constant dense<0.000000e+00> : vector<2048x64xf32>
    %dot_general3A_29 = tpu.matmul %get3A_15, %slice3A, %dot_general3A_28 {dimension_numbers = #tpu.dot_dimension_numbers<[1], [0], [0], [1], [0, 0, 1, 1], [], []>, transpose_lhs_hint = false} : vector<2048x64xf32>, vector<64x64xf32>, vector<2048x64xf32> -> vector<2048x64xf32>
    %get3A_30 = arith.constant 0 : index
    %get3A_31 = arith.constant 0 : index
    %get3A_32 = vector.load %arg10[%get3A_30, %get3A_31] : memref<1x64xf32, #tpu.memory_space<vmem>>, vector<1x64xf32>
    %add3A_33 = vector.broadcast %get3A_32 : vector<1x64xf32> to vector<2048x64xf32>
    %add3A_34 = arith.addf %dot_general3A_29, %add3A_33 : vector<2048x64xf32>
    %concatenate3A_35 = tpu.concatenate %add3A_34, %get3A_15 in 1 : vector<2048x64xf32>, vector<2048x64xf32> -> vector<2048x128xf32>
    %dot_general3A_36 = arith.constant dense<0.000000e+00> : vector<2048x128xf32>
    %dot_general3A_37 = tpu.matmul %concatenate3A_35, %get3A_18, %dot_general3A_36 {dimension_numbers = #tpu.dot_dimension_numbers<[1], [0], [0], [1], [0, 0, 1, 1], [], []>, transpose_lhs_hint = false} : vector<2048x128xf32>, vector<128x128xf32>, vector<2048x128xf32> -> vector<2048x128xf32>
    %add3A_38 = vector.broadcast %get3A_27 : vector<1x128xf32> to vector<2048x128xf32>
    %add3A_39 = arith.addf %dot_general3A_37, %add3A_38 : vector<2048x128xf32>
    %logistic3A = arith.negf %add3A_39 : vector<2048x128xf32>
    %logistic3A_40 = math.exp %logistic3A : vector<2048x128xf32>
    %logistic3A_41 = arith.constant 1.000000e+00 : f32
    %logistic3A_42 = vector.broadcast %logistic3A_41 : f32 to vector<2048x128xf32>
    %logistic3A_43 = arith.addf %logistic3A_42, %logistic3A_40 : vector<2048x128xf32>
    %logistic3A_44 = arith.divf %logistic3A_42, %logistic3A_43 : vector<2048x128xf32>
    %slice3A_45 = vector.extract_strided_slice %logistic3A_44 {offsets = [0, 0], sizes = [2048, 64], strides = [1, 1]} : vector<2048x128xf32> to vector<2048x64xf32>
    %slice3A_46 = vector.extract_strided_slice %logistic3A_44 {offsets = [0, 64], sizes = [2048, 64], strides = [1, 1]} : vector<2048x128xf32> to vector<2048x64xf32>
    %dot_general3A_47 = arith.constant dense<0.000000e+00> : vector<2048x64xf32>
    %dot_general3A_48 = tpu.matmul %add3A_34, %get3A_21, %dot_general3A_47 {dimension_numbers = #tpu.dot_dimension_numbers<[1], [0], [0], [1], [0, 0, 1, 1], [], []>, transpose_lhs_hint = false} : vector<2048x64xf32>, vector<64x64xf32>, vector<2048x64xf32> -> vector<2048x64xf32>
    %get3A_49 = arith.constant 0 : index
    %get3A_50 = arith.constant 0 : index
    %get3A_51 = vector.load %arg8[%get3A_49, %get3A_50] : memref<1x64xf32, #tpu.memory_space<vmem>>, vector<1x64xf32>
    %add3A_52 = vector.broadcast %get3A_51 : vector<1x64xf32> to vector<2048x64xf32>
    %add3A_53 = arith.addf %dot_general3A_48, %add3A_52 : vector<2048x64xf32>
    %dot_general3A_54 = arith.constant dense<0.000000e+00> : vector<2048x64xf32>
    %dot_general3A_55 = tpu.matmul %get3A_15, %get3A_24, %dot_general3A_54 {dimension_numbers = #tpu.dot_dimension_numbers<[1], [0], [0], [1], [0, 0, 1, 1], [], []>, transpose_lhs_hint = false} : vector<2048x64xf32>, vector<64x64xf32>, vector<2048x64xf32> -> vector<2048x64xf32>
    %get3A_56 = arith.constant 0 : index
    %get3A_57 = arith.constant 0 : index
    %get3A_58 = vector.load %arg9[%get3A_56, %get3A_57] : memref<1x64xf32, #tpu.memory_space<vmem>>, vector<1x64xf32>
    %add3A_59 = vector.broadcast %get3A_58 : vector<1x64xf32> to vector<2048x64xf32>
    %add3A_60 = arith.addf %dot_general3A_55, %add3A_59 : vector<2048x64xf32>
    %mul3A = arith.mulf %slice3A_45, %add3A_60 : vector<2048x64xf32>
    %add3A_61 = arith.addf %add3A_53, %mul3A : vector<2048x64xf32>
    %tanh3A = math.tanh %add3A_61 : vector<2048x64xf32>
    %sub3A = arith.constant 1.000000e+00 : f32
    %sub3A_62 = vector.broadcast %sub3A : f32 to vector<2048x64xf32>
    %sub3A_63 = arith.subf %sub3A_62, %slice3A_46 : vector<2048x64xf32>
    %mul3A_64 = arith.mulf %sub3A_63, %tanh3A : vector<2048x64xf32>
    %mul3A_65 = arith.mulf %slice3A_46, %get3A_15 : vector<2048x64xf32>
    %add3A_66 = arith.addf %mul3A_64, %mul3A_65 : vector<2048x64xf32>
    %add3A_67 = arith.addf %add3A_66, %get3A_15 : vector<2048x64xf32>
    %dot_general3A_68 = arith.constant dense<0.000000e+00> : vector<2048x64xf32>
    %dot_general3A_69 = tpu.matmul %add3A_67, %slice3A_12, %dot_general3A_68 {dimension_numbers = #tpu.dot_dimension_numbers<[1], [0], [0], [1], [0, 0, 1, 1], [], []>, transpose_lhs_hint = false} : vector<2048x64xf32>, vector<64x64xf32>, vector<2048x64xf32> -> vector<2048x64xf32>
    %get3A_70 = arith.constant 0 : index
    %get3A_71 = arith.constant 0 : index
    %get3A_72 = vector.load %arg11[%get3A_70, %get3A_71] : memref<1x64xf32, #tpu.memory_space<vmem>>, vector<1x64xf32>
    %add3A_73 = vector.broadcast %get3A_72 : vector<1x64xf32> to vector<2048x64xf32>
    %add3A_74 = arith.addf %dot_general3A_69, %add3A_73 : vector<2048x64xf32>
    %concatenate3A_75 = tpu.concatenate %add3A_74, %add3A_67 in 1 : vector<2048x64xf32>, vector<2048x64xf32> -> vector<2048x128xf32>
    %dot_general3A_76 = arith.constant dense<0.000000e+00> : vector<2048x128xf32>
    %dot_general3A_77 = tpu.matmul %concatenate3A_75, %get3A_18, %dot_general3A_76 {dimension_numbers = #tpu.dot_dimension_numbers<[1], [0], [0], [1], [0, 0, 1, 1], [], []>, transpose_lhs_hint = false} : vector<2048x128xf32>, vector<128x128xf32>, vector<2048x128xf32> -> vector<2048x128xf32>
    %add3A_78 = vector.broadcast %get3A_27 : vector<1x128xf32> to vector<2048x128xf32>
    %add3A_79 = arith.addf %dot_general3A_77, %add3A_78 : vector<2048x128xf32>
    %logistic3A_80 = arith.negf %add3A_79 : vector<2048x128xf32>
    %logistic3A_81 = math.exp %logistic3A_80 : vector<2048x128xf32>
    %logistic3A_82 = arith.constant 1.000000e+00 : f32
    %logistic3A_83 = vector.broadcast %logistic3A_82 : f32 to vector<2048x128xf32>
    %logistic3A_84 = arith.addf %logistic3A_83, %logistic3A_81 : vector<2048x128xf32>
    %logistic3A_85 = arith.divf %logistic3A_83, %logistic3A_84 : vector<2048x128xf32>
    %slice3A_86 = vector.extract_strided_slice %logistic3A_85 {offsets = [0, 0], sizes = [2048, 64], strides = [1, 1]} : vector<2048x128xf32> to vector<2048x64xf32>
    %slice3A_87 = vector.extract_strided_slice %logistic3A_85 {offsets = [0, 64], sizes = [2048, 64], strides = [1, 1]} : vector<2048x128xf32> to vector<2048x64xf32>
    %dot_general3A_88 = arith.constant dense<0.000000e+00> : vector<2048x64xf32>
    %dot_general3A_89 = tpu.matmul %add3A_74, %get3A_21, %dot_general3A_88 {dimension_numbers = #tpu.dot_dimension_numbers<[1], [0], [0], [1], [0, 0, 1, 1], [], []>, transpose_lhs_hint = false} : vector<2048x64xf32>, vector<64x64xf32>, vector<2048x64xf32> -> vector<2048x64xf32>
    %get3A_90 = arith.constant 0 : index
    %get3A_91 = arith.constant 0 : index
    %get3A_92 = vector.load %arg8[%get3A_90, %get3A_91] : memref<1x64xf32, #tpu.memory_space<vmem>>, vector<1x64xf32>
    %add3A_93 = vector.broadcast %get3A_92 : vector<1x64xf32> to vector<2048x64xf32>
    %add3A_94 = arith.addf %dot_general3A_89, %add3A_93 : vector<2048x64xf32>
    %dot_general3A_95 = arith.constant dense<0.000000e+00> : vector<2048x64xf32>
    %dot_general3A_96 = tpu.matmul %add3A_67, %get3A_24, %dot_general3A_95 {dimension_numbers = #tpu.dot_dimension_numbers<[1], [0], [0], [1], [0, 0, 1, 1], [], []>, transpose_lhs_hint = false} : vector<2048x64xf32>, vector<64x64xf32>, vector<2048x64xf32> -> vector<2048x64xf32>
    %get3A_97 = arith.constant 0 : index
    %get3A_98 = arith.constant 0 : index
    %get3A_99 = vector.load %arg9[%get3A_97, %get3A_98] : memref<1x64xf32, #tpu.memory_space<vmem>>, vector<1x64xf32>
    %add3A_100 = vector.broadcast %get3A_99 : vector<1x64xf32> to vector<2048x64xf32>
    %add3A_101 = arith.addf %dot_general3A_96, %add3A_100 : vector<2048x64xf32>
    %mul3A_102 = arith.mulf %slice3A_86, %add3A_101 : vector<2048x64xf32>
    %add3A_103 = arith.addf %add3A_94, %mul3A_102 : vector<2048x64xf32>
    %tanh3A_104 = math.tanh %add3A_103 : vector<2048x64xf32>
    %sub3A_105 = arith.constant 1.000000e+00 : f32
    %sub3A_106 = vector.broadcast %sub3A_105 : f32 to vector<2048x64xf32>
    %sub3A_107 = arith.subf %sub3A_106, %slice3A_87 : vector<2048x64xf32>
    %mul3A_108 = arith.mulf %sub3A_107, %tanh3A_104 : vector<2048x64xf32>
    %mul3A_109 = arith.mulf %slice3A_87, %add3A_67 : vector<2048x64xf32>
    %add3A_110 = arith.addf %mul3A_108, %mul3A_109 : vector<2048x64xf32>
    %add3A_111 = arith.addf %add3A_110, %get3A_15 : vector<2048x64xf32>
    %swap3A = arith.constant 0 : index
    %swap3A_112 = arith.constant 0 : index
    %swap3A_113 = vector.load %arg12[%swap3A, %swap3A_112] : memref<2048x64xf32, #tpu.memory_space<vmem>>, vector<2048x64xf32>
    tpu.vector_store %arg12[%swap3A, %swap3A_112], %add3A_111 {strides = array<i32>} : memref<2048x64xf32, #tpu.memory_space<vmem>>, vector<2048x64xf32>,
    return
  }
}

</mosaic_0001>

<sc_bundles>
// kernel: kernel.4.cloned.1.call-start
scs
__scs_entry_jumppad:
0x0: {  	(pc) =	sbr.rel $0x88, $3  }
0x1: {  	(tag) =	ssettag $0x0;
	lr =	simm.s32 $0x1  }
0x2: {  	[smem:$0x3F95] =	sst lr;
	_ =	strace $0xD0000000  }
0x3: {  	_ = 	snop  }
0x4: {  	_ = 	snop  }
0x5: {  	_ = 	snop  }
0x6: {  	_ = 	snop  }
0x7: {  	_ = 	snop  }
__scs_overlays_trampoline_lowered:
0x8: {  	[smem:$0x3FA4] =	sst s0  }
0x9: {  	[smem:$0x3FA5] =	sst s1  }
0xa: {  	[smem:$0x3FA6] =	sst s2  }
0xb: {  	[smem:$0x3FA7] =	sst s3  }
0xc: {  	[smem:$0x3FA8] =	sst s4  }
0xd: {  	[smem:$0x3FA9] =	sst s5  }
0xe: {  	[smem:$0x3FAA] =	sst s6  }
0xf: {  	[smem:$0x3FAB] =	sst s7  }
0x10: {  	[smem:$0x3FAC] =	sst s8  }
0x11: {  	[smem:$0x3FAD] =	sst s9;
	s0 =	simm.s32 @!p0 $0x0  }
0x12: {  	s1 =	sld [smem:$0x3F93];
	s0 =	simm.s32 @p0 $0x1  }
0x13: {  	[smem:$0x3FAE] =	sst s0;
	s0 =	simm.s32 @!p1 $0x0  }
0x14: {  	s2 =	sld [smem:$0x3F92];
	s0 =	simm.s32 @p1 $0x1  }
0x15: {  	[smem:$0x3FAF] =	sst s0;
	s0 =	simm.s32 @!p2 $0x0  }
0x16: {  	s3 =	sld [smem:$0x3FDB];
	s0 =	simm.s32 @p2 $0x1  }
0x17: {  	s4 =	simm.s32 $0x1BF5;
	[smem:$0x3FB1] =	sst s0  }
0x18: {  	s0 =	sld [smem:$0x3F94];
	_ =	swait.ge [sflag:s4], $0x0  }
0x19: {  	s7 =	sld [smem:$0x3F95]  }
0x1a: {  	s8 =	sadd.s32 $0xFFFFE003, lr  }
0x1b: {  	s9 =	sadd.s32 $0xFFFFFEF7, lr;
	s5 =	simm.s32 $0xFFFFFFFF;
	p2 =	slt.u32 s8, $0xFFFFF086  }
0x1c: {  	p1 =	slt.u32 s9, $0xF7A;
	s5 =	simm.s32 @!p2 $0x0  }
0x1d: {  	s5 =	simm.s32 @p1 $0x1;
	p0 =	seq.s32 s7, s2  }
0x1e: {  	s7 =	smul.u32 @!p0 $0xF7A, s2;
	p2 =	seq.s32 @!p0 s5, $0x0  }
0x1f: {  	s9 =	smul.u32 $0xF7A, s1;
	s8 =	simm.s32 @!p0 $0x1BF5;
	p2 =	por !p2, p0  }
0x20: {  	[sflag:s8] =	ssyncset.s32 @!p0 $0xFFFFF086;
	s6 =	sadd.s32 @!p0 s3, s7;
	s7 =	simm.s32 @!p0 $0x108  }
0x21: {  	s3 =	sadd.s32 s3, s9;
	s6 =	sadd.s32 @!p0 $0x88, s6;
	s7 =	simm.s32 @p2 $0x1082  }
0x22: {  	[simem:s7], [sflag:s8] =	dma.local @!p0 [hbm:s6], $0xF7A  }
0x23: {  	s9 =	sor.u32 $0xD0000000, s2;
	s6 =	simm.s32 $0x108;
	_ =	swait.ge @!p0 [sflag:s8], $0x0  }
0x24: {  	s3 =	sadd.s32 $0x88, s3;
	s6 =	simm.s32 @!p1 $0x1082;
	[sflag:s4] =	ssyncset.s32 $0xFFFFF086  }
0x25: {  	[simem:s6], [sflag:s4] =	dma.local [hbm:s3], $0xF7A  }
0x26: {  	[smem:$0x3F95] =	sst s1;
	(tag) =	ssettag s2;
	_ =	strace s9  }
0x27: {  	s1 =	sld [smem:$0x3FA5]  }
0x28: {  	s2 =	sld [smem:$0x3FA6]  }
0x29: {  	s4 =	sld [smem:$0x3FA8]  }
0x2a: {  	p0 =	seq.s32 s5, $0x0;
	s5 =	sld [smem:$0x3FA9]  }
0x2b: {  	s6 =	sld [smem:$0x3FAA]  }
0x2c: {  	s7 =	sld [smem:$0x3FAB]  }
0x2d: {  	s3 =	simm.s32 $0x108;
	s8 =	sld [smem:$0x3FAC]  }
0x2e: {  	s3 =	simm.s32 @!p0 $0x1082;
	s9 =	sld [smem:$0x3FAD]  }
0x2f: {  	lr =	sadd.s32 s0, s3;
	s0 =	sld [smem:$0x3FA4]  }
0x30: {  	s3 =	sld [smem:$0x3FA7]  }
0x31: {  	[smem:$0x3FB0] =	sst s10  }
0x32: {  	s10 =	sld [smem:$0x3FAE];
	_ =	sdelay $0x3  }
0x33: {  	p0 =	seq.s32 s10, $0x1;
	s10 =	sld [smem:$0x3FB0];
	_ =	sdelay $0x3  }
0x34: {  	[smem:$0x3FB0] =	sst s10  }
0x35: {  	s10 =	sld [smem:$0x3FAF];
	_ =	sdelay $0x3  }
0x36: {  	p1 =	seq.s32 s10, $0x1;
	s10 =	sld [smem:$0x3FB0];
	_ =	sdelay $0x3  }
0x37: {  	[smem:$0x3FB0] =	sst s10  }
0x38: {  	s10 =	sld [smem:$0x3FB1]  }
0x39: {  	_ = 	snop;
	(pc) =	sbr.ind lr, $3  }
0x3a: {  	_ = 	snop  }
0x3b: {  	_ = 	snop  }
0x3c: {  	p2 =	seq.s32 s10, $0x1;
	s10 =	sld [smem:$0x3FB0]  }
0x3d: {  	_ =	shalt  }
0x3e: {  	_ =	shalt  }
0x3f: {  	_ =	shalt  }
0x40: {  	_ =	shalt  }
0x41: {  	_ =	shalt  }
0x42: {  	_ =	shalt  }
0x43: {  	_ =	shalt  }
0x44: {  	_ =	shalt  }
0x45: {  	_ =	shalt  }
0x46: {  	_ =	shalt  }
0x47: {  	_ =	shalt  }
0x48: {  	_ =	shalt  }
0x49: {  	_ =	shalt  }
0x4a: {  	_ =	shalt  }
0x4b: {  	_ =	shalt  }
0x4c: {  	_ =	shalt  }
0x4d: {  	_ =	shalt  }
0x4e: {  	_ =	shalt  }
0x4f: {  	_ =	shalt  }
0x50: {  	_ =	shalt  }
0x51: {  	_ =	shalt  }
0x52: {  	_ =	shalt  }
0x53: {  	_ =	shalt  }
0x54: {  	_ =	shalt  }
0x55: {  	_ =	shalt  }
0x56: {  	_ =	shalt  }
0x57: {  	_ =	shalt  }
0x58: {  	_ =	shalt  }
0x59: {  	_ =	shalt  }
0x5a: {  	_ =	shalt  }
0x5b: {  	_ =	shalt  }
0x5c: {  	_ =	shalt  }
0x5d: {  	_ =	shalt  }
0x5e: {  	_ =	shalt  }
0x5f: {  	_ =	shalt  }
0x60: {  	_ =	shalt  }
0x61: {  	_ =	shalt  }
0x62: {  	_ =	shalt  }
0x63: {  	_ =	shalt  }
0x64: {  	_ =	shalt  }
0x65: {  	_ =	shalt  }
0x66: {  	_ =	shalt  }
0x67: {  	_ =	shalt  }
0x68: {  	_ =	shalt  }
0x69: {  	_ =	shalt  }
0x6a: {  	_ =	shalt  }
0x6b: {  	_ =	shalt  }
0x6c: {  	_ =	shalt  }
0x6d: {  	_ =	shalt  }
0x6e: {  	_ =	shalt  }
0x6f: {  	_ =	shalt  }
0x70: {  	_ =	shalt  }
0x71: {  	_ =	shalt  }
0x72: {  	_ =	shalt  }
0x73: {  	_ =	shalt  }
0x74: {  	_ =	shalt  }
0x75: {  	_ =	shalt  }
0x76: {  	_ =	shalt  }
0x77: {  	_ =	shalt  }
0x78: {  	_ =	shalt  }
0x79: {  	_ =	shalt  }
0x7a: {  	_ =	shalt  }
0x7b: {  	_ =	shalt  }
0x7c: {  	_ =	shalt  }
0x7d: {  	_ =	shalt  }
0x7e: {  	_ =	shalt  }
0x7f: {  	_ =	shalt  }
0x80: {  	_ =	shalt  }
0x81: {  	_ =	shalt  }
0x82: {  	_ =	shalt  }
0x83: {  	_ =	shalt  }
0x84: {  	_ =	shalt  }
0x85: {  	_ =	shalt  }
0x86: {  	_ =	shalt  }
0x87: {  	_ =	shalt  }
.Lfunc_end0:
.L_simem_size_0:
called_computation_lowered:
.L_overlay_start_0:
0x88: {  	s2 =	sld [smem:$0x3FD9]  }
0x89: {  	s3 =	sld [smem:$0x3FFE];
	_ =	sdelay $0x1  }
0x8a: {  	s1 =	srdreg.scid  }
0x8b: {  	s0 =	sand.u32 $0x1, s1  }
0x8c: {  	s17 =	sshll.u32 s0, $0xA;
	s2 =	sadd.s32 s3, s2  }
0x8d: {  	s2 =	sadd.s32 s2, s17  }
0x8e: {  	[smem:$0x3FBC] =	sst s2  }
0x8f: {  	_ = 	snop  }
0x90: {  	s2 =	sld [smem:$0x3FD0];
	(tm) =	ssettm $0x1  }
0x91: {  	s18 =	sld [smem:$0x3FFB];
	_ =	sdelay $0x3  }
0x92: {  	_ =	strace s18  }
0x93: {  	s3 =	sld [smem:$0x3FFC];
	_ =	sdelay $0x3  }
0x94: {  	_ =	strace s3  }
0x95: {  	s3 =	sld [smem:$0x3FFD];
	_ =	sdelay $0x3  }
0x96: {  	_ =	strace s3  }
0x97: {  	_ =	strace $0x8FFFFFFF  }
0x98: {  	s19 =	sld [smem:$0x3FDB];
	_ =	sdelay $0x1  }
0x99: {  	s4 =	simm.s32 $_scs_section_size  }
0x9a: {  	s5 =	simm.s32 $_size__tile_overlayer_lowered;
	s6 =	simm.s32 $_tile_overlayer_lowered  }
0x9b: {  	s22 =	simm.s32 $0x1BFF;
	s21 =	sshll.u32 s6, $0x1;
	s3 =	sadd.s32 s4, s19  }
0x9c: {  	s7 =	simm.s32 $0x0;
	s20 =	sshll.u32 s5, $0x1;
	s5 =	sadd.s32 s21, s3  }
0x9d: {  	[timem:s7], [sflag:s22] =	dma.local [hbm:s5], s20  }
0x9e: {  	_ =	swait.ge [sflag:s22], s20  }
0x9f: {  	s4 =	ssub.s32 $0x0, s20;
	[sflag:s22] =	ssyncset.done $0x0  }
0xa0: {  	[sflag:s22] =	ssyncadd.s32 s4;
	_ =	sdelay $0x1  }
0xa1: {  	s23 =	simm.s32 $0x1B8B  }
0xa2: {  	_ =	swait.ge [sflag:s23], $0x1  }
0xa3: {  	[sflag:s23] =	ssyncset.done $0x0  }
0xa4: {  	s25 =	simm.s32 $0x1B8E;
	s24 =	sld [smem:$0x3FFE];
	[sflag:s23] =	ssyncadd.s32 $0xFFFFFFFF  }
0xa5: {  	s26 =	simm.s32 $execute0_lowered;
	[smem:$0x3FD2] =	sst s25  }
0xa6: {  	s5 =	sshll.u32 s26, $0x1;
	_ =	strace $0x80000046;
	[dreg:$0x1] =	wrdreg $0xFFFFFFFF  }
0xa7: {  	s28 =	simm.s32 $_size_execute0_lowered;
	s3 =	sadd.s32 s3, s5;
	[dreg:$0x0] =	wrdreg $0x0  }
0xa8: {  	s5 =	sshll.u32 s28, $0x1;
	[dreg:$0x2] =	wrdreg s3  }
0xa9: {  	[dreg:$0x3] =	wrdreg s5  }
0xaa: {  	[dreg:$0x4] =	wrdreg $0xC0  }
0xab: {  	_ =	task [dreg:s7], $0x5FFFF  }
0xac: {  	[dreg:$0x1] =	wrdreg $0xFFFFFFFF  }
0xad: {  	[dreg:$0x0] =	wrdreg $0x60  }
0xae: {  	[dreg:$0x2] =	wrdreg s24  }
0xaf: {  	[dreg:$0x3] =	wrdreg s2  }
0xb0: {  	[dreg:$0x4] =	wrdreg $0x190000  }
0xb1: {  	[dreg:$0x5] =	wrdreg $0x9  }
0xb2: {  	_ =	task.clear_ibuf [dreg:s7], $0x6FFFF;
	_ =	strace $0x90000046  }
0xb3: {  	s29 =	simm.s32 $0x9;
	_ =	strace $0x80000048  }
0xb4: {  	_ =	swait.ge [sflag:s29], $0x1  }
0xb5: {  	[sflag:s29] =	ssyncadd.s32 $0xFFFFFFFF  }
0xb6: {  	_ =	strace $0x90000048  }
0xb7: {  	_ =	sfence  }
0xb8: {  	s30 =	sld [smem:$0x0];
	_ =	sdelay $0x2  }
0xb9: {  	s31 =	sshll.u32 s1, $0xD;
	s1 =	sshrl.u32 s1, $0x2  }
0xba: {  	s3 =	sand.u32 $0x4000, s31;
	s1 =	sadd.s32 s1, s30  }
0xbb: {  	s0 =	sor.u32 s3, s0;
	s1 =	sshll.u32 s1, $0x11  }
0xbc: {  	s0 =	sor.u32 s1, s0  }
0xbd: {  	s0 =	sadd.s32 $0x8F2B, s0  }
0xbe: {  	[sflag:s0] =	ssyncadd.remote.s32 $0x1  }
0xbf: {  	_ =	sfence.sel $0xFFFF  }
0xc0: {  	[dreg:$0x0] =	wrdreg $0xFFFFFFFF;
	(pc) =	sbr.abs _section_cstart, $3  }
0xc1: {  	[dreg:$0x1] =	wrdreg $0xFFFFFFFF  }
0xc2: {  	_ =	task.clear_ibuf [dreg:s7], $0x2FFFF;
	_ =	strace $0x9FFFFFFF  }
0xc3: {  	(tm) =	ssettm $0x7FFFFFFF  }
tec
execute0_lowered:
.L_overlay_start_1:
0x0: {  	(tag) =	ssettag $0x1  }
0x1: {  	s0 =	rddreg [dreg:$0x0]  }
0x2: {  	s5 =	rddreg [dreg:$0x1]  }
0x3: {  	s2 =	rddreg [dreg:$0x2];
	s11 =	simm.s32 $0x0  }
0x4: {  	[smem:$0x7FF] =	sst s11;
	s25 =	sadd.s32 $0x9E00, s0  }
0x5: {  	s26 =	sadd.s32 $0x1F00, s5;
	_ =	strace $0x80000047;
	[dreg:$0x4] =	wrdreg s25  }
0x6: {  	s13 =	simm.s32 $0x800;
	[dreg:$0x7] =	wrdreg s26  }
0x7: {  	s14 =	simm.s32 $0x200;
	[dreg:$0xc] =	wrdreg s13  }
0x8: {  	s15 =	simm.s32 $0x880;
	[dreg:$0xd] =	wrdreg s14  }
0x9: {  	s16 =	simm.s32 $0x280;
	[dreg:$0xe] =	wrdreg s15  }
0xa: {  	s17 =	simm.s32 $0x900;
	[dreg:$0xf] =	wrdreg s16  }
0xb: {  	s18 =	simm.s32 $0x300;
	[dreg:$0x10] =	wrdreg s17  }
0xc: {  	s19 =	simm.s32 $0x980;
	[dreg:$0x11] =	wrdreg s18  }
0xd: {  	s20 =	simm.s32 $0x380;
	[dreg:$0x12] =	wrdreg s19  }
0xe: {  	s21 =	simm.s32 $0xA00;
	[dreg:$0x13] =	wrdreg s20  }
0xf: {  	s22 =	simm.s32 $0x400;
	[dreg:$0x14] =	wrdreg s21  }
0x10: {  	s23 =	simm.s32 $0xA80;
	[dreg:$0x15] =	wrdreg s22  }
0x11: {  	s24 =	simm.s32 $0x480;
	[dreg:$0x16] =	wrdreg s23  }
0x12: {  	[dreg:$0x17] =	wrdreg s24;
	s25 =	simm.s32 $0xB00  }
0x13: {  	s26 =	simm.s32 $0x500;
	[dreg:$0x18] =	wrdreg s25  }
0x14: {  	s13 =	simm.s32 $0xC80;
	[dreg:$0x19] =	wrdreg s26  }
0x15: {  	s14 =	simm.s32 $0x680;
	[dreg:$0x1e] =	wrdreg s13  }
0x16: {  	s15 =	simm.s32 $0xD00;
	[dreg:$0x1f] =	wrdreg s14  }
0x17: {  	s16 =	simm.s32 $0x700;
	[smem:$0x7F5] =	sst s15  }
0x18: {  	s1 =	srdreg.scid;
	s17 =	simm.s32 $0xD80;
	[smem:$0x7F6] =	sst s16  }
0x19: {  	s10 =	stileid.u32;
	s18 =	simm.s32 $0x780;
	[smem:$0x7F7] =	sst s17  }
0x1a: {  	s4 =	sand.u32 $0x1, s1;
	s19 =	simm.s32 $0xE00;
	[smem:$0x7F8] =	sst s18  }
0x1b: {  	s6 =	smul.u32 $0x880, s10;
	s20 =	simm.s32 $0xE80;
	[smem:$0x7F9] =	sst s19  }
0x1c: {  	s3 =	sshll.u32 s4, $0x4;
	s8 =	smul.u32 $0x8800, s4;
	[smem:$0x7FA] =	sst s20  }
0x1d: {  	s24 =	simm.s32 $0xF00;
	s1 =	sor.u32 s10, s3;
	s25 =	rddreg [dreg:$0x4]  }
0x1e: {  	s3 =	sshll.u32 s10, $0x6;
	[smem:$0x7FB] =	sst s24;
	s26 =	simm.s32 $0xF80  }
0x1f: {  	s7 =	sshll.u32 s1, $0x8;
	s9 =	sor.u32 $0x1C0D, s3;
	[smem:$0x7FC] =	sst s26  }
0x20: {  	s6 =	sadd.s32 s6, s8;
	s8 =	simm.s32 $0x100;
	[dreg:$0x5] =	wrdreg s9  }
0x21: {  	s12 =	sadd.s32 s5, s7;
	s5 =	sadd.s32 $0x3EFC, s5;
	[dreg:$0xa] =	wrdreg s8  }
0x22: {  	s9 =	simm.s32 $0x180;
	[dreg:$0x8] =	wrdreg s5  }
0x23: {  	s8 =	simm.s32 $0xC00;
	[dreg:$0xb] =	wrdreg s9  }
0x24: {  	[dreg:$0x1c] =	wrdreg s8  }
0x25: {  	s21 =	smul.u32 $0x11000, s10;
	s7 =	sadd.s32 $0x1FFC, s12;
	s22 =	rddreg [dreg:$0x5]  }
0x26: {  	s6 =	sadd.s32 s6, s0;
	s9 =	simm.s32 $0x600;
	[dreg:$0x6] =	wrdreg s7  }
0x27: {  	s7 =	sadd.s32 $0xA800, s6;
	[dreg:$0x1d] =	wrdreg s9  }
0x28: {  	s23 =	sshrl.u32 s21, $0x2;
	s6 =	simm.s32 $0xB80;
	[dreg:$0x9] =	wrdreg s7  }
0x29: {  	s5 =	sadd.s32 s23, s2;
	[dreg:$0x1a] =	wrdreg s6;
	s7 =	simm.s32 $0x580  }
0x2a: {  	p0 =	seq.s32 s1, $0x1F;
	s5 =	sshrl.u32 s5, $0x3;
	[dreg:$0x1b] =	wrdreg s7  }
0x2b: {  	[spmem:s5], [sflag:s22] =	dma.local [hbm:s25], $0x880  }
0x2c: {  	s8 =	simm.s32 @p0 $0x0;
	s7 =	simm.s32 @p0 $0xE;
	s6 =	rddreg [dreg:$0x7]  }
0x2d: {  	[tilespmem:s8], [sflag:$0xE] =	stream.linear.gather @p0 [hbm4b:s6+s8], $0x7E0, $0x38;
	[tilespmem:$0x1D400] =	vst v63  }
0x2e: {  	_ =	swait.ge @p0 [sflag:s7], $0x7E0  }
0x2f: {  	[sflag:s7] =	ssyncset.done @p0 $0x0  }
0x30: {  	s6 =	simm.s32 @p0 $0x800;
	s1 =	rddreg [dreg:$0x8];
	[sflag:s7] =	ssyncadd.s32 @p0 $0xFFFFF820  }
0x31: {  	[tilespmem:s6], [sflag:$0xE] =	stream.linear.gather @p0 [hbm4b:s1+s8], $0x7E0, $0x38;
	[tilespmem:$0x1D400] =	vst v63  }
0x32: {  	_ =	swait.ge @p0 [sflag:s7], $0x7E0  }
0x33: {  	[sflag:s7] =	ssyncset.done @p0 $0x0  }
0x34: {  	v0 =	vimm.s32 @p0 $0x0;
	[sflag:s7] =	ssyncadd.s32 @p0 $0xFFFFF820  }
0x35: {  	[tilespmem:$0x7E0] =	vst @p0 v0  }
0x36: {  	v1 =	vimm.s32 @p0 $0x800;
	[tilespmem:$0x7F0] =	vst @p0 v0  }
0x37: {  	[tilespmem:$0xFF0] =	vst @p0 v1  }
0x38: {  	s10 =	simm.s32 @!p0 $0xE;
	s6 =	simm.s32 @!p0 $0x0;
	[smem:$0x7F4] =	sst s12;
	[tilespmem:$0xFE0] =	vst @p0 v1  }
0x39: {  	[tilespmem:s6], [sflag:$0xE] =	stream.linear.gather @!p0 [hbm4b:s12+s6], $0x800, $0x38;
	[tilespmem:$0x1D400] =	vst v63  }
0x3a: {  	_ =	swait.ge @!p0 [sflag:s10], $0x800  }
0x3b: {  	[sflag:s10] =	ssyncset.done @!p0 $0x0  }
0x3c: {  	s8 =	simm.s32 @!p0 $0x800;
	s1 =	rddreg [dreg:$0x6];
	[sflag:s10] =	ssyncadd.s32 @!p0 $0xFFFFF800  }
0x3d: {  	[tilespmem:s8], [sflag:$0xE] =	stream.linear.gather @!p0 [hbm4b:s1+s6], $0x800, $0x38;
	[tilespmem:$0x1D400] =	vst v63  }
0x3e: {  	_ =	swait.ge @!p0 [sflag:s10], $0x800  }
0x3f: {  	[sflag:s10] =	ssyncset.done @!p0 $0x0  }
0x40: {  	s12 =	simm.s32 $0xD;
	[sflag:s10] =	ssyncadd.s32 @!p0 $0xFFFFF800  }
0x41: {  	_ =	swait.ge [sflag:s12], $0x880  }
0x42: {  	[sflag:s12] =	ssyncset.done $0x0  }
0x43: {  	s13 =	sadd.s32 $0x1E00, s0;
	[sflag:s12] =	ssyncadd.s32 $0xFFFFF780  }
0x44: {  	s14 =	simm.s32 $0x80;
	s15 =	simm.s32 $0x1000;
	[bflag:$0x0] =	sbarrier.arrive $0xFFFF  }
0x45: {  	[tilespmem:s15], [sflag:$0x1] =	stream.indirect.gather [hbm4b:s13+s14], $0x80, s11, s14, $0xb8;
	[tilespmem:$0x1D400] =	vst v63  }
0x46: {  	s16 =	simm.s32 $0x5000  }
0x47: {  	[tilespmem:s16], [sflag:$0x2] =	stream.indirect.gather [hbm4b:s13+s14], $0x80, s14, s14, $0xb8;
	[tilespmem:$0x1D400] =	vst v63  }
0x48: {  	s17 =	simm.s32 $0x9000;
	s6 =	rddreg [dreg:$0xa]  }
0x49: {  	[tilespmem:s17], [sflag:$0x3] =	stream.indirect.gather [hbm4b:s13+s14], $0x80, s6, s14, $0xb8;
	[tilespmem:$0x1D400] =	vst v63  }
0x4a: {  	s18 =	simm.s32 $0xD000;
	s19 =	simm.s32 $0x1;
	s8 =	rddreg [dreg:$0xb]  }
0x4b: {  	[tilespmem:s18], [sflag:$0x4] =	stream.indirect.gather [hbm4b:s13+s14], $0x80, s8, s14, $0xb8;
	[tilespmem:$0x1D400] =	vst v63  }
0x4c: {  	_ =	swait.ge [sflag:s19], $0x4000  }
0x4d: {  	[sflag:s19] =	ssyncset.done $0x0  }
0x4e: {  	s9 =	rddreg [dreg:$0xc];
	[sflag:s19] =	ssyncadd.s32 $0xFFFFC000  }
0x4f: {  	[spmem:s2] =	stream.indirect.scatter.add.f32 [tilespmem:s15], [sflag:$0x7], $0x80, s9, s14, $0xb8;
	[tilespmem:$0x1D400] =	vst v63  }
0x50: {  	s20 =	simm.s32 $0x11000;
	s21 =	simm.s32 $0x2;
	s11 =	rddreg [dreg:$0xd]  }
0x51: {  	[tilespmem:s20], [sflag:$0x5] =	stream.indirect.gather [hbm4b:s13+s14], $0x80, s11, s14, $0xb8;
	[tilespmem:$0x1D400] =	vst v63  }
0x52: {  	_ =	swait.ge [sflag:s21], $0x4000  }
0x53: {  	[sflag:s21] =	ssyncset.done $0x0  }
0x54: {  	s22 =	rddreg [dreg:$0xe];
	[sflag:s21] =	ssyncadd.s32 $0xFFFFC000  }
0x55: {  	[spmem:s2] =	stream.indirect.scatter.add.f32 [tilespmem:s16], [sflag:$0x8], $0x80, s22, s14, $0xb8;
	[tilespmem:$0x1D400] =	vst v63  }
0x56: {  	s23 =	rddreg [dreg:$0xf];
	s22 =	simm.s32 $0x15000  }
0x57: {  	[tilespmem:s22], [sflag:$0x6] =	stream.indirect.gather [hbm4b:s13+s14], $0x80, s23, s14, $0xb8;
	[tilespmem:$0x1D400] =	vst v63  }
0x58: {  	s23 =	simm.s32 $0x3  }
0x59: {  	_ =	swait.ge [sflag:s23], $0x4000  }
0x5a: {  	[sflag:s23] =	ssyncset.done $0x0  }
0x5b: {  	s24 =	rddreg [dreg:$0x10];
	[sflag:s23] =	ssyncadd.s32 $0xFFFFC000  }
0x5c: {  	[spmem:s2] =	stream.indirect.scatter.add.f32 [tilespmem:s17], [sflag:$0x9], $0x80, s24, s14, $0xb8;
	[tilespmem:$0x1D400] =	vst v63  }
0x5d: {  	s24 =	simm.s32 $0x7  }
0x5e: {  	_ =	swait.ge [sflag:s24], $0x4000  }
0x5f: {  	[sflag:s24] =	ssyncset.done $0x0  }
0x60: {  	s25 =	rddreg [dreg:$0x11];
	[sflag:s24] =	ssyncadd.s32 $0xFFFFC000  }
0x61: {  	[tilespmem:s15], [sflag:$0x1] =	stream.indirect.gather [hbm4b:s13+s14], $0x80, s25, s14, $0xb8;
	[tilespmem:$0x1D400] =	vst v63  }
0x62: {  	s25 =	simm.s32 $0x4  }
0x63: {  	_ =	swait.ge [sflag:s25], $0x4000  }
0x64: {  	[sflag:s25] =	ssyncset.done $0x0  }
0x65: {  	s26 =	rddreg [dreg:$0x12];
	[sflag:s25] =	ssyncadd.s32 $0xFFFFC000  }
0x66: {  	[spmem:s2] =	stream.indirect.scatter.add.f32 [tilespmem:s18], [sflag:$0xA], $0x80, s26, s14, $0xb8;
	[tilespmem:$0x1D400] =	vst v63  }
0x67: {  	s26 =	simm.s32 $0x8  }
0x68: {  	_ =	swait.ge [sflag:s26], $0x4000  }
0x69: {  	[sflag:s26] =	ssyncset.done $0x0  }
0x6a: {  	s28 =	simm.s32 $0x5;
	s1 =	rddreg [dreg:$0x13];
	[sflag:s26] =	ssyncadd.s32 $0xFFFFC000  }
0x6b: {  	[tilespmem:s16], [sflag:$0x2] =	stream.indirect.gather [hbm4b:s13+s14], $0x80, s1, s14, $0xb8;
	[tilespmem:$0x1D400] =	vst v63  }
0x6c: {  	_ =	swait.ge [sflag:s28], $0x4000  }
0x6d: {  	[sflag:s28] =	ssyncset.done $0x0  }
0x6e: {  	s29 =	simm.s32 $0x9;
	s6 =	rddreg [dreg:$0x14];
	[sflag:s28] =	ssyncadd.s32 $0xFFFFC000  }
0x6f: {  	[spmem:s2] =	stream.indirect.scatter.add.f32 [tilespmem:s20], [sflag:$0xB], $0x80, s6, s14, $0xb8;
	[tilespmem:$0x1D400] =	vst v63  }
0x70: {  	_ =	swait.ge [sflag:s29], $0x4000  }
0x71: {  	[sflag:s29] =	ssyncset.done $0x0  }
0x72: {  	s30 =	simm.s32 $0x6;
	s8 =	rddreg [dreg:$0x15];
	[sflag:s29] =	ssyncadd.s32 $0xFFFFC000  }
0x73: {  	[tilespmem:s17], [sflag:$0x3] =	stream.indirect.gather [hbm4b:s13+s14], $0x80, s8, s14, $0xb8;
	[tilespmem:$0x1D400] =	vst v63  }
0x74: {  	_ =	swait.ge [sflag:s30], $0x4000  }
0x75: {  	[sflag:s30] =	ssyncset.done $0x0  }
0x76: {  	s31 =	simm.s32 $0xA;
	s9 =	rddreg [dreg:$0x16];
	[sflag:s30] =	ssyncadd.s32 $0xFFFFC000  }
0x77: {  	[spmem:s2] =	stream.indirect.scatter.add.f32 [tilespmem:s22], [sflag:$0xC], $0x80, s9, s14, $0xb8;
	[tilespmem:$0x1D400] =	vst v63  }
0x78: {  	_ =	swait.ge [sflag:s31], $0x4000  }
0x79: {  	[sflag:s31] =	ssyncset.done $0x0  }
0x7a: {  	s11 =	rddreg [dreg:$0x17];
	[sflag:s31] =	ssyncadd.s32 $0xFFFFC000  }
0x7b: {  	[tilespmem:s18], [sflag:$0x4] =	stream.indirect.gather [hbm4b:s13+s14], $0x80, s11, s14, $0xb8;
	[tilespmem:$0x1D400] =	vst v63  }
0x7c: {  	_ =	swait.ge [sflag:s19], $0x4000  }
0x7d: {  	[sflag:s19] =	ssyncset.done $0x0  }
0x7e: {  	s0 =	simm.s32 $0xB;
	s1 =	rddreg [dreg:$0x18];
	[sflag:s19] =	ssyncadd.s32 $0xFFFFC000  }
0x7f: {  	[spmem:s2] =	stream.indirect.scatter.add.f32 [tilespmem:s15], [sflag:$0x7], $0x80, s1, s14, $0xb8;
	[tilespmem:$0x1D400] =	vst v63  }
0x80: {  	_ =	swait.ge [sflag:s0], $0x4000  }
0x81: {  	[sflag:s0] =	ssyncset.done $0x0  }
0x82: {  	s6 =	rddreg [dreg:$0x19];
	[sflag:s0] =	ssyncadd.s32 $0xFFFFC000  }
0x83: {  	[tilespmem:s20], [sflag:$0x5] =	stream.indirect.gather [hbm4b:s13+s14], $0x80, s6, s14, $0xb8;
	[tilespmem:$0x1D400] =	vst v63  }
0x84: {  	_ =	swait.ge [sflag:s21], $0x4000  }
0x85: {  	[sflag:s21] =	ssyncset.done $0x0  }
0x86: {  	s1 =	simm.s32 $0xC;
	s8 =	rddreg [dreg:$0x1a];
	[sflag:s21] =	ssyncadd.s32 $0xFFFFC000  }
0x87: {  	[spmem:s2] =	stream.indirect.scatter.add.f32 [tilespmem:s16], [sflag:$0x8], $0x80, s8, s14, $0xb8;
	[tilespmem:$0x1D400] =	vst v63  }
0x88: {  	_ =	swait.ge [sflag:s1], $0x4000  }
0x89: {  	[sflag:s1] =	ssyncset.done $0x0  }
0x8a: {  	s9 =	rddreg [dreg:$0x1b];
	[sflag:s1] =	ssyncadd.s32 $0xFFFFC000  }
0x8b: {  	[tilespmem:s22], [sflag:$0x6] =	stream.indirect.gather [hbm4b:s13+s14], $0x80, s9, s14, $0xb8;
	[tilespmem:$0x1D400] =	vst v63  }
0x8c: {  	_ =	swait.ge [sflag:s23], $0x4000  }
0x8d: {  	[sflag:s23] =	ssyncset.done $0x0  }
0x8e: {  	s11 =	rddreg [dreg:$0x1c];
	[sflag:s23] =	ssyncadd.s32 $0xFFFFC000  }
0x8f: {  	[spmem:s2] =	stream.indirect.scatter.add.f32 [tilespmem:s17], [sflag:$0x9], $0x80, s11, s14, $0xb8;
	[tilespmem:$0x1D400] =	vst v63  }
0x90: {  	_ =	swait.ge [sflag:s24], $0x4000  }
0x91: {  	[sflag:s24] =	ssyncset.done $0x0  }
0x92: {  	s8 =	rddreg [dreg:$0x1d];
	[sflag:s24] =	ssyncadd.s32 $0xFFFFC000  }
0x93: {  	[tilespmem:s15], [sflag:$0x1] =	stream.indirect.gather [hbm4b:s13+s14], $0x80, s8, s14, $0xb8;
	[tilespmem:$0x1D400] =	vst v63  }
0x94: {  	_ =	swait.ge [sflag:s25], $0x4000  }
0x95: {  	[sflag:s25] =	ssyncset.done $0x0  }
0x96: {  	s9 =	rddreg [dreg:$0x1e];
	[sflag:s25] =	ssyncadd.s32 $0xFFFFC000  }
0x97: {  	[spmem:s2] =	stream.indirect.scatter.add.f32 [tilespmem:s18], [sflag:$0xA], $0x80, s9, s14, $0xb8;
	[tilespmem:$0x1D400] =	vst v63  }
0x98: {  	_ =	swait.ge [sflag:s26], $0x4000  }
0x99: {  	[sflag:s26] =	ssyncset.done $0x0  }
0x9a: {  	s11 =	rddreg [dreg:$0x1f];
	[sflag:s26] =	ssyncadd.s32 $0xFFFFC000  }
0x9b: {  	[tilespmem:s16], [sflag:$0x2] =	stream.indirect.gather [hbm4b:s13+s14], $0x80, s11, s14, $0xb8;
	[tilespmem:$0x1D400] =	vst v63  }
0x9c: {  	_ =	swait.ge [sflag:s28], $0x4000  }
0x9d: {  	s8 =	sld [smem:$0x7F5]  }
0x9e: {  	[sflag:s28] =	ssyncset.done $0x0  }
0x9f: {  	[sflag:s28] =	ssyncadd.s32 $0xFFFFC000  }
0xa0: {  	[spmem:s2] =	stream.indirect.scatter.add.f32 [tilespmem:s20], [sflag:$0xB], $0x80, s8, s14, $0xb8;
	[tilespmem:$0x1D400] =	vst v63  }
0xa1: {  	_ =	swait.ge [sflag:s29], $0x4000  }
0xa2: {  	s9 =	sld [smem:$0x7F6]  }
0xa3: {  	[sflag:s29] =	ssyncset.done $0x0  }
0xa4: {  	[sflag:s29] =	ssyncadd.s32 $0xFFFFC000  }
0xa5: {  	[tilespmem:s17], [sflag:$0x3] =	stream.indirect.gather [hbm4b:s13+s14], $0x80, s9, s14, $0xb8;
	[tilespmem:$0x1D400] =	vst v63  }
0xa6: {  	_ =	swait.ge [sflag:s30], $0x4000  }
0xa7: {  	s11 =	sld [smem:$0x7F7]  }
0xa8: {  	[sflag:s30] =	ssyncset.done $0x0  }
0xa9: {  	[sflag:s30] =	ssyncadd.s32 $0xFFFFC000  }
0xaa: {  	[spmem:s2] =	stream.indirect.scatter.add.f32 [tilespmem:s22], [sflag:$0xC], $0x80, s11, s14, $0xb8;
	[tilespmem:$0x1D400] =	vst v63  }
0xab: {  	_ =	swait.ge [sflag:s31], $0x4000  }
0xac: {  	s8 =	sld [smem:$0x7F8]  }
0xad: {  	[sflag:s31] =	ssyncset.done $0x0  }
0xae: {  	[sflag:s31] =	ssyncadd.s32 $0xFFFFC000  }
0xaf: {  	[tilespmem:s18], [sflag:$0x4] =	stream.indirect.gather [hbm4b:s13+s14], $0x80, s8, s14, $0xb8;
	[tilespmem:$0x1D400] =	vst v63  }
0xb0: {  	_ =	swait.ge [sflag:s19], $0x4000  }
0xb1: {  	s9 =	sld [smem:$0x7F9]  }
0xb2: {  	[sflag:s19] =	ssyncset.done $0x0  }
0xb3: {  	[sflag:s19] =	ssyncadd.s32 $0xFFFFC000  }
0xb4: {  	[spmem:s2] =	stream.indirect.scatter.add.f32 [tilespmem:s15], [sflag:$0x7], $0x80, s9, s14, $0xb8;
	[tilespmem:$0x1D400] =	vst v63  }
0xb5: {  	_ =	swait.ge [sflag:s21], $0x4000  }
0xb6: {  	s11 =	sld [smem:$0x7FA]  }
0xb7: {  	[sflag:s21] =	ssyncset.done $0x0  }
0xb8: {  	[sflag:s21] =	ssyncadd.s32 $0xFFFFC000  }
0xb9: {  	[spmem:s2] =	stream.indirect.scatter.add.f32 [tilespmem:s16], [sflag:$0x8], $0x80, s11, s14, $0xb8;
	[tilespmem:$0x1D400] =	vst v63  }
0xba: {  	_ =	swait.ge [sflag:s23], $0x4000  }
0xbb: {  	s8 =	sld [smem:$0x7FB]  }
0xbc: {  	[sflag:s23] =	ssyncset.done $0x0  }
0xbd: {  	[sflag:s23] =	ssyncadd.s32 $0xFFFFC000  }
0xbe: {  	[spmem:s2] =	stream.indirect.scatter.add.f32 [tilespmem:s17], [sflag:$0x9], $0x80, s8, s14, $0xb8;
	[tilespmem:$0x1D400] =	vst v63  }
0xbf: {  	_ =	swait.ge [sflag:s25], $0x4000  }
0xc0: {  	s9 =	sld [smem:$0x7FC]  }
0xc1: {  	[sflag:s25] =	ssyncset.done $0x0  }
0xc2: {  	[sflag:s25] =	ssyncadd.s32 $0xFFFFC000  }
0xc3: {  	[spmem:s2] =	stream.indirect.scatter.add.f32 [tilespmem:s18], [sflag:$0xA], $0x80, s9, s14, $0xb8;
	[tilespmem:$0x1D400] =	vst v63  }
0xc4: {  	_ =	swait.ge [sflag:s0], $0x4000  }
0xc5: {  	[sflag:s0] =	ssyncset.done $0x0  }
0xc6: {  	[sflag:s0] =	ssyncadd.s32 $0xFFFFC000  }
0xc7: {  	_ =	swait.ge [sflag:s1], $0x4000  }
0xc8: {  	[sflag:s1] =	ssyncset.done $0x0  }
0xc9: {  	[sflag:s1] =	ssyncadd.s32 $0xFFFFC000  }
0xca: {  	_ =	swait.ge [sflag:s24], $0x4000  }
0xcb: {  	[sflag:s24] =	ssyncset.done $0x0  }
0xcc: {  	[sflag:s24] =	ssyncadd.s32 $0xFFFFC000  }
0xcd: {  	_ =	swait.ge [sflag:s26], $0x4000  }
0xce: {  	s4 =	ssub.s32 $0x2, s4;
	[sflag:s26] =	ssyncset.done $0x0  }
0xcf: {  	s11 =	sshrl.u32 s4, $0x1;
	[sflag:s26] =	ssyncadd.s32 $0xFFFFC000  }
0xd0: {  	s4 =	ssub.s32 s4, s11;
	_ =	swait.ge [sflag:s29], $0x4000  }
0xd1: {  	s4 =	smax.u32 s4, $0x1;
	[sflag:s29] =	ssyncset.done $0x0  }
0xd2: {  	s8 =	sadd.s32 $0xFFFFFFFF, s4;
	[sflag:s29] =	ssyncadd.s32 $0xFFFFC000  }
0xd3: {  	p1 =	sne.s32 s8, $0x0;
	_ =	swait.ge [sflag:s31], $0x4000  }
.Ltmp0:
0xd4: {  	[sflag:s31] =	ssyncset.done $0x0;
	(pc) =	sbr.rel @!p1 .LBB2_1-.Ltmp0, $4  }
0xd5: {  	[sflag:s31] =	ssyncadd.s32 $0xFFFFC000  }
0xd6: {  	[bflag:$0x0] =	sbarrier.arrive $0xFFFF  }
0xd7: {  	s11 =	sor.u32 $0x1C0E, s3;
	s6 =	rddreg [dreg:$0x9]  }
0xd8: {  	s3 =	simm.s32 $0xE;
	[smem:$0x7FD] =	sst s11  }
.LBB2_2:
0xd9: {  	[hbm:s6], [sflag:s11] =	dma.local [spmem:s5], $0x880  }
0xda: {  	_ =	swait.ge [sflag:s3], $0x880  }
0xdb: {  	s4 =	sld [smem:$0x7FD];
	_ =	sdelay $0x1  }
0xdc: {  	[sflag:s3] =	ssyncset.done $0x0;
	s9 =	rddreg [dreg:$0x4]  }
0xdd: {  	[sflag:s3] =	ssyncadd.s32 $0xFFFFF780;
	s11 =	smov.u32 s4;
	s4 =	rddreg [dreg:$0x5]  }
0xde: {  	[spmem:s5], [sflag:s4] =	dma.local [hbm:s9], $0x880  }
0xdf: {  	s9 =	simm.s32 @p0 $0x0;
	s6 =	rddreg [dreg:$0x7]  }
0xe0: {  	[tilespmem:s9], [sflag:$0xE] =	stream.linear.gather @p0 [hbm4b:s6+s9], $0x7E0, $0x38;
	[tilespmem:$0x1D400] =	vst v63  }
0xe1: {  	_ =	swait.ge @p0 [sflag:s7], $0x7E0  }
0xe2: {  	[sflag:s7] =	ssyncset.done @p0 $0x0  }
0xe3: {  	s4 =	simm.s32 @p0 $0x800;
	s6 =	rddreg [dreg:$0x8];
	[sflag:s7] =	ssyncadd.s32 @p0 $0xFFFFF820  }
0xe4: {  	[tilespmem:s4], [sflag:$0xE] =	stream.linear.gather @p0 [hbm4b:s6+s9], $0x7E0, $0x38;
	[tilespmem:$0x1D400] =	vst v63  }
0xe5: {  	_ =	swait.ge @p0 [sflag:s7], $0x7E0  }
0xe6: {  	[sflag:s7] =	ssyncset.done @p0 $0x0  }
0xe7: {  	[sflag:s7] =	ssyncadd.s32 @p0 $0xFFFFF820  }
0xe8: {  	[tilespmem:$0x7E0] =	vst @p0 v0  }
0xe9: {  	s6 =	sld [smem:$0x7F4];
	[tilespmem:$0x7F0] =	vst @p0 v0  }
0xea: {  	[tilespmem:$0xFF0] =	vst @p0 v1  }
0xeb: {  	s4 =	simm.s32 @!p0 $0x0;
	[tilespmem:$0xFE0] =	vst @p0 v1  }
0xec: {  	[tilespmem:s4], [sflag:$0xE] =	stream.linear.gather @!p0 [hbm4b:s6+s4], $0x800, $0x38;
	[tilespmem:$0x1D400] =	vst v63  }
0xed: {  	_ =	swait.ge @!p0 [sflag:s10], $0x800  }
0xee: {  	[sflag:s10] =	ssyncset.done @!p0 $0x0  }
0xef: {  	s9 =	simm.s32 @!p0 $0x800;
	s6 =	rddreg [dreg:$0x6];
	[sflag:s10] =	ssyncadd.s32 @!p0 $0xFFFFF800  }
0xf0: {  	[tilespmem:s9], [sflag:$0xE] =	stream.linear.gather @!p0 [hbm4b:s6+s4], $0x800, $0x38;
	[tilespmem:$0x1D400] =	vst v63  }
0xf1: {  	_ =	swait.ge @!p0 [sflag:s10], $0x800  }
0xf2: {  	[sflag:s10] =	ssyncset.done @!p0 $0x0  }
0xf3: {  	[sflag:s10] =	ssyncadd.s32 @!p0 $0xFFFFF800  }
0xf4: {  	_ =	swait.ge [sflag:s12], $0x880  }
0xf5: {  	[sflag:s12] =	ssyncset.done $0x0  }
0xf6: {  	[sflag:s12] =	ssyncadd.s32 $0xFFFFF780  }
0xf7: {  	s4 =	simm.s32 $0x0;
	[bflag:$0x0] =	sbarrier.arrive $0xFFFF  }
0xf8: {  	[tilespmem:s15], [sflag:$0x1] =	stream.indirect.gather [hbm4b:s13+s14], $0x80, s4, s14, $0xb8;
	[tilespmem:$0x1D400] =	vst v63  }
0xf9: {  	_ = 	snop  }
0xfa: {  	[tilespmem:s16], [sflag:$0x2] =	stream.indirect.gather [hbm4b:s13+s14], $0x80, s14, s14, $0xb8;
	[tilespmem:$0x1D400] =	vst v63  }
0xfb: {  	s9 =	rddreg [dreg:$0xa]  }
0xfc: {  	[tilespmem:s17], [sflag:$0x3] =	stream.indirect.gather [hbm4b:s13+s14], $0x80, s9, s14, $0xb8;
	[tilespmem:$0x1D400] =	vst v63  }
0xfd: {  	s4 =	rddreg [dreg:$0xb]  }
0xfe: {  	[tilespmem:s18], [sflag:$0x4] =	stream.indirect.gather [hbm4b:s13+s14], $0x80, s4, s14, $0xb8;
	[tilespmem:$0x1D400] =	vst v63  }
0xff: {  	_ =	swait.ge [sflag:s19], $0x4000  }
0x100: {  	[sflag:s19] =	ssyncset.done $0x0  }
0x101: {  	s9 =	rddreg [dreg:$0xc];
	[sflag:s19] =	ssyncadd.s32 $0xFFFFC000  }
0x102: {  	[spmem:s2] =	stream.indirect.scatter.add.f32 [tilespmem:s15], [sflag:$0x7], $0x80, s9, s14, $0xb8;
	[tilespmem:$0x1D400] =	vst v63  }
0x103: {  	s4 =	rddreg [dreg:$0xd]  }
0x104: {  	[tilespmem:s20], [sflag:$0x5] =	stream.indirect.gather [hbm4b:s13+s14], $0x80, s4, s14, $0xb8;
	[tilespmem:$0x1D400] =	vst v63  }
0x105: {  	_ =	swait.ge [sflag:s21], $0x4000  }
0x106: {  	[sflag:s21] =	ssyncset.done $0x0  }
0x107: {  	s9 =	rddreg [dreg:$0xe];
	[sflag:s21] =	ssyncadd.s32 $0xFFFFC000  }
0x108: {  	[spmem:s2] =	stream.indirect.scatter.add.f32 [tilespmem:s16], [sflag:$0x8], $0x80, s9, s14, $0xb8;
	[tilespmem:$0x1D400] =	vst v63  }
0x109: {  	s4 =	rddreg [dreg:$0xf]  }
0x10a: {  	[tilespmem:s22], [sflag:$0x6] =	stream.indirect.gather [hbm4b:s13+s14], $0x80, s4, s14, $0xb8;
	[tilespmem:$0x1D400] =	vst v63  }
0x10b: {  	_ =	swait.ge [sflag:s23], $0x4000  }
0x10c: {  	[sflag:s23] =	ssyncset.done $0x0  }
0x10d: {  	s4 =	rddreg [dreg:$0x10];
	[sflag:s23] =	ssyncadd.s32 $0xFFFFC000  }
0x10e: {  	[spmem:s2] =	stream.indirect.scatter.add.f32 [tilespmem:s17], [sflag:$0x9], $0x80, s4, s14, $0xb8;
	[tilespmem:$0x1D400] =	vst v63  }
0x10f: {  	_ =	swait.ge [sflag:s24], $0x4000  }
0x110: {  	[sflag:s24] =	ssyncset.done $0x0  }
0x111: {  	s9 =	rddreg [dreg:$0x11];
	[sflag:s24] =	ssyncadd.s32 $0xFFFFC000  }
0x112: {  	[tilespmem:s15], [sflag:$0x1] =	stream.indirect.gather [hbm4b:s13+s14], $0x80, s9, s14, $0xb8;
	[tilespmem:$0x1D400] =	vst v63  }
0x113: {  	_ =	swait.ge [sflag:s25], $0x4000  }
0x114: {  	[sflag:s25] =	ssyncset.done $0x0  }
0x115: {  	s4 =	rddreg [dreg:$0x12];
	[sflag:s25] =	ssyncadd.s32 $0xFFFFC000  }
0x116: {  	[spmem:s2] =	stream.indirect.scatter.add.f32 [tilespmem:s18], [sflag:$0xA], $0x80, s4, s14, $0xb8;
	[tilespmem:$0x1D400] =	vst v63  }
0x117: {  	_ =	swait.ge [sflag:s26], $0x4000  }
0x118: {  	[sflag:s26] =	ssyncset.done $0x0  }
0x119: {  	s9 =	rddreg [dreg:$0x13];
	[sflag:s26] =	ssyncadd.s32 $0xFFFFC000  }
0x11a: {  	[tilespmem:s16], [sflag:$0x2] =	stream.indirect.gather [hbm4b:s13+s14], $0x80, s9, s14, $0xb8;
	[tilespmem:$0x1D400] =	vst v63  }
0x11b: {  	_ =	swait.ge [sflag:s28], $0x4000  }
0x11c: {  	[sflag:s28] =	ssyncset.done $0x0  }
0x11d: {  	s4 =	rddreg [dreg:$0x14];
	[sflag:s28] =	ssyncadd.s32 $0xFFFFC000  }
0x11e: {  	[spmem:s2] =	stream.indirect.scatter.add.f32 [tilespmem:s20], [sflag:$0xB], $0x80, s4, s14, $0xb8;
	[tilespmem:$0x1D400] =	vst v63  }
0x11f: {  	_ =	swait.ge [sflag:s29], $0x4000  }
0x120: {  	[sflag:s29] =	ssyncset.done $0x0  }
0x121: {  	s9 =	rddreg [dreg:$0x15];
	[sflag:s29] =	ssyncadd.s32 $0xFFFFC000  }
0x122: {  	[tilespmem:s17], [sflag:$0x3] =	stream.indirect.gather [hbm4b:s13+s14], $0x80, s9, s14, $0xb8;
	[tilespmem:$0x1D400] =	vst v63  }
0x123: {  	_ =	swait.ge [sflag:s30], $0x4000  }
0x124: {  	[sflag:s30] =	ssyncset.done $0x0  }
0x125: {  	s4 =	rddreg [dreg:$0x16];
	[sflag:s30] =	ssyncadd.s32 $0xFFFFC000  }
0x126: {  	[spmem:s2] =	stream.indirect.scatter.add.f32 [tilespmem:s22], [sflag:$0xC], $0x80, s4, s14, $0xb8;
	[tilespmem:$0x1D400] =	vst v63  }
0x127: {  	_ =	swait.ge [sflag:s31], $0x4000  }
0x128: {  	[sflag:s31] =	ssyncset.done $0x0  }
0x129: {  	s9 =	rddreg [dreg:$0x17];
	[sflag:s31] =	ssyncadd.s32 $0xFFFFC000  }
0x12a: {  	[tilespmem:s18], [sflag:$0x4] =	stream.indirect.gather [hbm4b:s13+s14], $0x80, s9, s14, $0xb8;
	[tilespmem:$0x1D400] =	vst v63  }
0x12b: {  	_ =	swait.ge [sflag:s19], $0x4000  }
0x12c: {  	[sflag:s19] =	ssyncset.done $0x0  }
0x12d: {  	s4 =	rddreg [dreg:$0x18];
	[sflag:s19] =	ssyncadd.s32 $0xFFFFC000  }
0x12e: {  	[spmem:s2] =	stream.indirect.scatter.add.f32 [tilespmem:s15], [sflag:$0x7], $0x80, s4, s14, $0xb8;
	[tilespmem:$0x1D400] =	vst v63  }
0x12f: {  	_ =	swait.ge [sflag:s0], $0x4000  }
0x130: {  	[sflag:s0] =	ssyncset.done $0x0  }
0x131: {  	s9 =	rddreg [dreg:$0x19];
	[sflag:s0] =	ssyncadd.s32 $0xFFFFC000  }
0x132: {  	[tilespmem:s20], [sflag:$0x5] =	stream.indirect.gather [hbm4b:s13+s14], $0x80, s9, s14, $0xb8;
	[tilespmem:$0x1D400] =	vst v63  }
0x133: {  	_ =	swait.ge [sflag:s21], $0x4000  }
0x134: {  	[sflag:s21] =	ssyncset.done $0x0  }
0x135: {  	s4 =	rddreg [dreg:$0x1a];
	[sflag:s21] =	ssyncadd.s32 $0xFFFFC000  }
0x136: {  	[spmem:s2] =	stream.indirect.scatter.add.f32 [tilespmem:s16], [sflag:$0x8], $0x80, s4, s14, $0xb8;
	[tilespmem:$0x1D400] =	vst v63  }
0x137: {  	_ =	swait.ge [sflag:s1], $0x4000  }
0x138: {  	[sflag:s1] =	ssyncset.done $0x0  }
0x139: {  	s9 =	rddreg [dreg:$0x1b];
	[sflag:s1] =	ssyncadd.s32 $0xFFFFC000  }
0x13a: {  	[tilespmem:s22], [sflag:$0x6] =	stream.indirect.gather [hbm4b:s13+s14], $0x80, s9, s14, $0xb8;
	[tilespmem:$0x1D400] =	vst v63  }
0x13b: {  	_ =	swait.ge [sflag:s23], $0x4000  }
0x13c: {  	[sflag:s23] =	ssyncset.done $0x0  }
0x13d: {  	s4 =	rddreg [dreg:$0x1c];
	[sflag:s23] =	ssyncadd.s32 $0xFFFFC000  }
0x13e: {  	[spmem:s2] =	stream.indirect.scatter.add.f32 [tilespmem:s17], [sflag:$0x9], $0x80, s4, s14, $0xb8;
	[tilespmem:$0x1D400] =	vst v63  }
0x13f: {  	_ =	swait.ge [sflag:s24], $0x4000  }
0x140: {  	[sflag:s24] =	ssyncset.done $0x0  }
0x141: {  	s9 =	rddreg [dreg:$0x1d];
	[sflag:s24] =	ssyncadd.s32 $0xFFFFC000  }
0x142: {  	[tilespmem:s15], [sflag:$0x1] =	stream.indirect.gather [hbm4b:s13+s14], $0x80, s9, s14, $0xb8;
	[tilespmem:$0x1D400] =	vst v63  }
0x143: {  	_ =	swait.ge [sflag:s25], $0x4000  }
0x144: {  	[sflag:s25] =	ssyncset.done $0x0  }
0x145: {  	s4 =	rddreg [dreg:$0x1e];
	[sflag:s25] =	ssyncadd.s32 $0xFFFFC000  }
0x146: {  	[spmem:s2] =	stream.indirect.scatter.add.f32 [tilespmem:s18], [sflag:$0xA], $0x80, s4, s14, $0xb8;
	[tilespmem:$0x1D400] =	vst v63  }
0x147: {  	_ =	swait.ge [sflag:s26], $0x4000  }
0x148: {  	[sflag:s26] =	ssyncset.done $0x0  }
0x149: {  	s9 =	rddreg [dreg:$0x1f];
	[sflag:s26] =	ssyncadd.s32 $0xFFFFC000  }
0x14a: {  	[tilespmem:s16], [sflag:$0x2] =	stream.indirect.gather [hbm4b:s13+s14], $0x80, s9, s14, $0xb8;
	[tilespmem:$0x1D400] =	vst v63  }
0x14b: {  	_ =	swait.ge [sflag:s28], $0x4000  }
0x14c: {  	s4 =	sld [smem:$0x7F5]  }
0x14d: {  	[sflag:s28] =	ssyncset.done $0x0  }
0x14e: {  	[sflag:s28] =	ssyncadd.s32 $0xFFFFC000  }
0x14f: {  	[spmem:s2] =	stream.indirect.scatter.add.f32 [tilespmem:s20], [sflag:$0xB], $0x80, s4, s14, $0xb8;
	[tilespmem:$0x1D400] =	vst v63  }
0x150: {  	_ =	swait.ge [sflag:s29], $0x4000  }
0x151: {  	s9 =	sld [smem:$0x7F6]  }
0x152: {  	[sflag:s29] =	ssyncset.done $0x0  }
0x153: {  	[sflag:s29] =	ssyncadd.s32 $0xFFFFC000  }
0x154: {  	[tilespmem:s17], [sflag:$0x3] =	stream.indirect.gather [hbm4b:s13+s14], $0x80, s9, s14, $0xb8;
	[tilespmem:$0x1D400] =	vst v63  }
0x155: {  	_ =	swait.ge [sflag:s30], $0x4000  }
0x156: {  	s4 =	sld [smem:$0x7F7]  }
0x157: {  	[sflag:s30] =	ssyncset.done $0x0  }
0x158: {  	[sflag:s30] =	ssyncadd.s32 $0xFFFFC000  }
0x159: {  	[spmem:s2] =	stream.indirect.scatter.add.f32 [tilespmem:s22], [sflag:$0xC], $0x80, s4, s14, $0xb8;
	[tilespmem:$0x1D400] =	vst v63  }
0x15a: {  	_ =	swait.ge [sflag:s31], $0x4000  }
0x15b: {  	s9 =	sld [smem:$0x7F8]  }
0x15c: {  	[sflag:s31] =	ssyncset.done $0x0  }
0x15d: {  	[sflag:s31] =	ssyncadd.s32 $0xFFFFC000  }
0x15e: {  	[tilespmem:s18], [sflag:$0x4] =	stream.indirect.gather [hbm4b:s13+s14], $0x80, s9, s14, $0xb8;
	[tilespmem:$0x1D400] =	vst v63  }
0x15f: {  	_ =	swait.ge [sflag:s19], $0x4000  }
0x160: {  	s4 =	sld [smem:$0x7F9]  }
0x161: {  	[sflag:s19] =	ssyncset.done $0x0  }
0x162: {  	[sflag:s19] =	ssyncadd.s32 $0xFFFFC000  }
0x163: {  	[spmem:s2] =	stream.indirect.scatter.add.f32 [tilespmem:s15], [sflag:$0x7], $0x80, s4, s14, $0xb8;
	[tilespmem:$0x1D400] =	vst v63  }
0x164: {  	_ =	swait.ge [sflag:s21], $0x4000  }
0x165: {  	s9 =	sld [smem:$0x7FA]  }
0x166: {  	[sflag:s21] =	ssyncset.done $0x0  }
0x167: {  	[sflag:s21] =	ssyncadd.s32 $0xFFFFC000  }
0x168: {  	[spmem:s2] =	stream.indirect.scatter.add.f32 [tilespmem:s16], [sflag:$0x8], $0x80, s9, s14, $0xb8;
	[tilespmem:$0x1D400] =	vst v63  }
0x169: {  	_ =	swait.ge [sflag:s23], $0x4000  }
0x16a: {  	s4 =	sld [smem:$0x7FB]  }
0x16b: {  	[sflag:s23] =	ssyncset.done $0x0  }
0x16c: {  	[sflag:s23] =	ssyncadd.s32 $0xFFFFC000  }
0x16d: {  	[spmem:s2] =	stream.indirect.scatter.add.f32 [tilespmem:s17], [sflag:$0x9], $0x80, s4, s14, $0xb8;
	[tilespmem:$0x1D400] =	vst v63  }
0x16e: {  	_ =	swait.ge [sflag:s25], $0x4000  }
0x16f: {  	s9 =	sld [smem:$0x7FC]  }
0x170: {  	[sflag:s25] =	ssyncset.done $0x0  }
0x171: {  	[sflag:s25] =	ssyncadd.s32 $0xFFFFC000  }
0x172: {  	[spmem:s2] =	stream.indirect.scatter.add.f32 [tilespmem:s18], [sflag:$0xA], $0x80, s9, s14, $0xb8;
	[tilespmem:$0x1D400] =	vst v63  }
0x173: {  	_ =	swait.ge [sflag:s0], $0x4000  }
0x174: {  	[sflag:s0] =	ssyncset.done $0x0  }
0x175: {  	[sflag:s0] =	ssyncadd.s32 $0xFFFFC000  }
0x176: {  	_ =	swait.ge [sflag:s1], $0x4000  }
0x177: {  	[sflag:s1] =	ssyncset.done $0x0  }
0x178: {  	[sflag:s1] =	ssyncadd.s32 $0xFFFFC000  }
0x179: {  	_ =	swait.ge [sflag:s24], $0x4000  }
0x17a: {  	[sflag:s24] =	ssyncset.done $0x0  }
0x17b: {  	[sflag:s24] =	ssyncadd.s32 $0xFFFFC000  }
0x17c: {  	_ =	swait.ge [sflag:s26], $0x4000  }
0x17d: {  	[sflag:s26] =	ssyncset.done $0x0  }
0x17e: {  	[sflag:s26] =	ssyncadd.s32 $0xFFFFC000  }
0x17f: {  	_ =	swait.ge [sflag:s29], $0x4000  }
0x180: {  	s8 =	sadd.s32 $0xFFFFFFFF, s8;
	[sflag:s29] =	ssyncset.done $0x0  }
0x181: {  	p1 =	sne.s32 s8, $0x0;
	[sflag:s29] =	ssyncadd.s32 $0xFFFFC000  }
.Ltmp1:
0x182: {  	_ =	swait.ge [sflag:s31], $0x4000;
	(pc) =	sbr.rel @p1 .LBB2_2-.Ltmp1, $4  }
0x183: {  	[sflag:s31] =	ssyncset.done $0x0  }
0x184: {  	[sflag:s31] =	ssyncadd.s32 $0xFFFFC000  }
0x185: {  	[bflag:$0x0] =	sbarrier.arrive $0xFFFF  }
0x186: {  	s6 =	rddreg [dreg:$0x9]  }
.LBB2_3:
0x187: {  	[hbm:s6], [sflag:s11] =	dma.local [spmem:s5], $0x880  }
0x188: {  	_ =	swait.ge [sflag:s3], $0x880  }
0x189: {  	[sflag:s3] =	ssyncset.done $0x0  }
0x18a: {  	[sflag:s3] =	ssyncadd.s32 $0xFFFFF780  }
0x18b: {  	_ =	sfence.sel $0x180000  }
0x18c: {  	[bflag:$0x0] =	sbarrier.arrive $0xFFFF  }
0x18d: {  	_ =	strace $0x90000047  }
0x18e: {  	s0 =	stileid.u32;
	[bflag:$0x2] =	sbarrier.arrive $0xFFFF  }
0x18f: {  	p0 =	sne.s32 s0, $0x0;
	s0 =	rddreg [dreg:$0x3]  }
0x190: {  	s0 =	sadd.s32 @!p0 $0x100000, s0  }
0x191: {  	[sflag:s0] =	ssyncadd.tile.s32 @!p0 $0x1;
	_ =	shalt  }
.LBB2_1:
.Ltmp2:
0x192: {  	(pc) =	sbr.rel .LBB2_3-.Ltmp2, $2  }
0x193: {  	_ = 	snop  }
0x194: {  	s11 =	sld [smem:$0x7FD];
	_ =	sdelay $0x2  }
.Lfunc_end2:
_tile_overlayer_lowered:
.L_overlay_start_2:
0x195: {  	(tag) =	ssettag $0x2  }
0x196: {  	s0 =	rddreg [dreg:$0x0];
	s2 =	stileid.u32  }
0x197: {  	s1 =	rddreg [dreg:$0x1];
	p0 =	sne.s32 s2, $0x0  }
0x198: {  	s3 =	rddreg [dreg:$0x2];
	[bflag:$0x3] =	sbarrier.arrive $0xFFFF;
	s2 =	simm.s32 @!p0 $0x1C0E  }
0x199: {  	[timem:s3], [sflag:s2] =	dma.local @!p0 [hbm:s0], s1  }
0x19a: {  	s0 =	simm.s32 @!p0 $0xE  }
0x19b: {  	_ =	swait.ge @!p0 [sflag:s0], s1  }
0x19c: {  	s1 =	ssub.s32 @!p0 $0x0, s1;
	[sflag:s0] =	ssyncset.done @!p0 $0x0  }
0x19d: {  	[sflag:s0] =	ssyncadd.s32 @!p0 s1  }
0x19e: {  	[bflag:$0x3] =	sbarrier.arrive $0xFFFF  }
0x19f: {  	_ =	shalt  }

</sc_bundles>
